<compile_context>
chip_gen: v7x
topology: tpu7x:2x2x1
jax: 0.10.2.dev20260603
libtpu: 0.0.44.dev20260713+nightly
codegen_flags: <defaults>
</compile_context>

<pallas_src>
import functools

import jax
import jax.numpy as jnp
from jax import lax
from jax.experimental import pallas as pl
from jax.experimental.pallas import tpu as pltpu
from jax.experimental.pallas import tpu_sc as plsc

N_EMBD = 768
HALF = N_EMBD // 2
D_FF = 768
E = 64
CAP = 128
PRIME = 5099
B, T = 4, 2048
N = B * T
TRASH = E * CAP
EPG = 2
BUF_ROWS = (E + EPG) * CAP
NW = 32
TOK_PER_W = N // NW
T_BLK = 1024
CHUNK_D = 128
NCHUNK_D = TOK_PER_W // CHUNK_D
CHUNK_C = 128
NCHUNK_C = TOK_PER_W // CHUNK_C



def _pack_rows(a):
    u = jax.lax.bitcast_convert_type(a, jnp.uint32)
    rnd = jnp.uint32(0x8000)
    lo = (u[:, :HALF] + rnd) >> 16
    hi = (u[:, HALF:] + rnd) & jnp.uint32(0xFFFF0000)
    return jax.lax.bitcast_convert_type(lo | hi, jnp.int32)


def _unpack_rows(w):
    u = jax.lax.bitcast_convert_type(w, jnp.uint32)
    left = jax.lax.bitcast_convert_type(u << 16, jnp.float32)
    right = jax.lax.bitcast_convert_type(u & jnp.uint32(0xFFFF0000), jnp.float32)
    return jnp.concatenate([left, right], axis=1)


def _mix_route_body(x_ref, ss_ref, maak_ref, maar_ref, wr_ref, tid_ref,
                    xk_ref, r_ref, loc_ref, cnt_ref, prevrow_ref):
    b = pl.program_id(0)
    th = pl.program_id(1)

    @pl.when((b == 0) & (th == 0))
    def _init():
        cnt_ref[...] = jnp.zeros((E, 1), jnp.int32)

    xv = x_ref[0]
    prev = jnp.where(th == 0, ss_ref[0], prevrow_ref[...])
    prevrow_ref[...] = xv[T_BLK - 1:T_BLK]
    xprev = jnp.concatenate([prev, xv[:-1]], axis=0)
    dx = xprev - xv
    xk_ref[...] = _pack_rows(xv + dx * maak_ref[...])
    xr = xv + dx * maar_ref[...]
    r_ref[...] = _pack_rows(jax.nn.sigmoid(
        lax.dot_general(xr.astype(jnp.bfloat16),
                        wr_ref[...].astype(jnp.bfloat16),
                        (((1,), (1,)), ((), ())),
                        preferred_element_type=jnp.float32)))

    tid = tid_ref[0]
    e = (tid * PRIME) % E
    erow = lax.broadcasted_iota(jnp.int32, (E, T_BLK), 0)
    oh = (erow == e).astype(jnp.int32)
    c = oh
    k = 1
    while k < T_BLK:
        c = c + jnp.concatenate(
            [jnp.zeros((E, k), jnp.int32), c[:, :-k]], axis=1)
        k *= 2
    ctot = c + cnt_ref[...]
    cnt_ref[...] = ctot[:, T_BLK - 1:T_BLK]
    pos = jnp.sum(ctot * oh, axis=0, keepdims=True) - 1
    keep = pos < CAP
    loc = e * CAP + jnp.minimum(pos, CAP - 1)
    loc_ref[...] = jnp.where(keep, loc, TRASH).reshape(T_BLK // CHUNK_D, CHUNK_D)


def _mix_route(x, ss3, maak2, maar2, Wr, tid3):
    nt = T // T_BLK
    return pl.pallas_call(
        _mix_route_body,
        grid=(B, nt),
        in_specs=[
            pl.BlockSpec((1, T_BLK, N_EMBD), lambda b, t: (b, t, 0)),
            pl.BlockSpec((1, 1, N_EMBD), lambda b, t: (b, 0, 0)),
            pl.BlockSpec((1, N_EMBD), lambda b, t: (0, 0)),
            pl.BlockSpec((1, N_EMBD), lambda b, t: (0, 0)),
            pl.BlockSpec((N_EMBD, N_EMBD), lambda b, t: (0, 0)),
            pl.BlockSpec((1, 1, T_BLK), lambda b, t: (b, 0, t)),
        ],
        out_specs=[
            pl.BlockSpec((T_BLK, HALF), lambda b, t: (b * (T // T_BLK) + t, 0)),
            pl.BlockSpec((T_BLK, HALF), lambda b, t: (b * (T // T_BLK) + t, 0)),
            pl.BlockSpec((T_BLK // CHUNK_D, CHUNK_D),
                         lambda b, t: (b * (T // T_BLK) + t, 0)),
        ],
        out_shape=[
            jax.ShapeDtypeStruct((N, HALF), jnp.int32),
            jax.ShapeDtypeStruct((N, HALF), jnp.int32),
            jax.ShapeDtypeStruct((N // CHUNK_D, CHUNK_D), jnp.int32),
        ],
        scratch_shapes=[pltpu.VMEM((E, 1), jnp.int32),
                        pltpu.VMEM((1, N_EMBD), jnp.float32)],
    )(x, ss3, maak2, maar2, Wr, tid3)


def _make_dispatch():
    mesh = plsc.VectorSubcoreMesh(core_axis_name="c", subcore_axis_name="s")

    @functools.partial(
        pl.kernel,
        mesh=mesh,
        out_type=jax.ShapeDtypeStruct((BUF_ROWS, HALF), jnp.int32),
        scratch_types=[
            pltpu.VMEM((NCHUNK_D, CHUNK_D), jnp.int32),
            pltpu.VMEM((CHUNK_D, HALF), jnp.int32),
            pltpu.VMEM((CHUNK_D, HALF), jnp.int32),
            pltpu.SemaphoreType.DMA,
            pltpu.SemaphoreType.DMA,
            pltpu.SemaphoreType.DMA,
            pltpu.SemaphoreType.DMA,
        ],
    )
    def disp(xk_hbm, loc_hbm, buf_hbm, idx_v, row0, row1,
             is0, is1, os0, os1):
        wid = lax.axis_index("s") * 2 + lax.axis_index("c")
        base = wid * TOK_PER_W
        pltpu.sync_copy(loc_hbm.at[pl.ds(wid * NCHUNK_D, NCHUNK_D)], idx_v)
        rows = (row0, row1)
        isems = (is0, is1)
        osems = (os0, os1)

        def cin(j):
            return pltpu.make_async_copy(
                xk_hbm.at[pl.ds(base + j * CHUNK_D, CHUNK_D)],
                rows[j % 2], isems[j % 2])

        def cout(j):
            return pltpu.make_async_copy(
                rows[j % 2], buf_hbm.at[idx_v.at[j]], osems[j % 2])

        cin(0).start()
        for j in range(NCHUNK_D):
            if j + 1 < NCHUNK_D:
                if j >= 1:
                    cout(j - 1).wait()
                cin(j + 1).start()
            cin(j).wait()
            cout(j).start()
        cout(NCHUNK_D - 2).wait()
        cout(NCHUNK_D - 1).wait()

    return disp


def _make_combine():
    mesh = plsc.VectorSubcoreMesh(core_axis_name="c", subcore_axis_name="s")

    @functools.partial(
        pl.kernel,
        mesh=mesh,
        out_type=jax.ShapeDtypeStruct((N, HALF), jnp.int32),
        scratch_types=[
            pltpu.VMEM((NCHUNK_C, CHUNK_C), jnp.int32),
            pltpu.VMEM((CHUNK_C, HALF), jnp.int32),
            pltpu.VMEM((CHUNK_C, HALF), jnp.int32),
            pltpu.SemaphoreType.DMA,
            pltpu.SemaphoreType.DMA,
            pltpu.SemaphoreType.DMA,
            pltpu.SemaphoreType.DMA,
        ],
    )
    def comb(outbuf_hbm, loc_hbm, y_hbm, idx_v, row0, row1,
             gs0, gs1, os0, os1):
        wid = lax.axis_index("s") * 2 + lax.axis_index("c")
        base = wid * TOK_PER_W
        pltpu.sync_copy(loc_hbm.at[pl.ds(wid * NCHUNK_C, NCHUNK_C)], idx_v)
        rows = (row0, row1)
        gsems = (gs0, gs1)
        osems = (os0, os1)

        def gin(j):
            return pltpu.make_async_copy(
                outbuf_hbm.at[idx_v.at[j]], rows[j % 2], gsems[j % 2])

        def oput(j):
            return pltpu.make_async_copy(
                rows[j % 2], y_hbm.at[pl.ds(base + j * CHUNK_C, CHUNK_C)],
                osems[j % 2])

        gin(0).start()
        for j in range(NCHUNK_C):
            if j + 1 < NCHUNK_C:
                if j >= 1:
                    oput(j - 1).wait()
                gin(j + 1).start()
            gin(j).wait()
            oput(j).start()
        oput(NCHUNK_C - 2).wait()
        oput(NCHUNK_C - 1).wait()

    return comb


def _ffn_body(buf_ref, wk_ref, wv_ref, out_ref):
    g = pl.program_id(0)
    ng = E // EPG

    @pl.when(g < ng)
    def _compute():
        for i in range(EPG):
            a = _unpack_rows(buf_ref[pl.ds(i * CAP, CAP), :])
            h = jnp.dot(a, wk_ref[i], preferred_element_type=jnp.float32)
            h = jnp.square(jnp.maximum(h, 0.0))
            out_ref[pl.ds(i * CAP, CAP), :] = _pack_rows(jnp.dot(
                h, wv_ref[i], preferred_element_type=jnp.float32))

    @pl.when(g == ng)
    def _zero():
        out_ref[...] = jnp.zeros((EPG * CAP, HALF), jnp.int32)


def _ffn(buf, Wk, Wv):
    ng = E // EPG
    return pl.pallas_call(
        _ffn_body,
        grid=(ng + 1,),
        in_specs=[
            pl.BlockSpec((EPG * CAP, HALF),
                         lambda g: (jnp.minimum(g, E // EPG - 1), 0)),
            pl.BlockSpec((EPG, N_EMBD, D_FF),
                         lambda g: (jnp.minimum(g, E // EPG - 1), 0, 0)),
            pl.BlockSpec((EPG, D_FF, N_EMBD),
                         lambda g: (jnp.minimum(g, E // EPG - 1), 0, 0)),
        ],
        out_specs=pl.BlockSpec((EPG * CAP, HALF), lambda g: (g, 0)),
        out_shape=jax.ShapeDtypeStruct((BUF_ROWS, HALF), jnp.int32),
    )(buf, Wk, Wv)


def _gate_body(r_ref, y_ref, out_ref):
    out_ref[...] = _unpack_rows(r_ref[...]) * _unpack_rows(y_ref[...])


def _gate(r, y):
    return pl.pallas_call(
        _gate_body,
        grid=(B,),
        in_specs=[
            pl.BlockSpec((T, HALF), lambda b: (b, 0)),
            pl.BlockSpec((T, HALF), lambda b: (b, 0)),
        ],
        out_specs=pl.BlockSpec((T, N_EMBD), lambda b: (b, 0)),
        out_shape=jax.ShapeDtypeStruct((N, N_EMBD), jnp.float32),
    )(r, y)


def kernel(x, shift_state, time_maa_k, time_maa_r, Wk, Wv, Wr, token_ids):
    maak2 = time_maa_k.reshape(1, N_EMBD)
    maar2 = time_maa_r.reshape(1, N_EMBD)
    ss3 = shift_state.reshape(B, 1, N_EMBD)
    tid3 = token_ids.reshape(B, 1, T)

    xk, r, loc2 = _mix_route(x, ss3, maak2, maar2, Wr, tid3)

    buf = _make_dispatch()(xk, loc2)
    outbuf = _ffn(buf, Wk, Wv)
    y = _make_combine()(outbuf, loc2)
    out = _gate(r, y)
    return out.reshape(B, T, N_EMBD), x[:, -1]

# --- scband reference (transcript-rebuilt; emitter-appended) ---
"""Pipeline reference for scband-cmo-e-c-10591389352191 (READ-ONLY COPY).

The authoritative reference and input builder live on the scoring server;
editing this copy changes nothing except your own understanding.
"""

import jax, jax.numpy as jnp
import numpy as np

N_EMBD = 768
D_FF = 768
N_EXPERTS = 64
HASH_PRIME = 5099  # primes[layer_id=0]
LAYER_ID = 0
N_LAYER = 24
B, T = 4, 2048
VOCAB = 50257


def setup_inputs(seed: int = 0) -> dict:
    key = jax.random.key(seed)
    ks = jax.random.split(key, 6)
    x = jax.random.normal(ks[0], (B, T, N_EMBD), dtype=jnp.float32)
    token_ids = jax.random.randint(ks[1], (B, T), 0, VOCAB, dtype=jnp.int32)
    shift_state = jax.random.normal(ks[2], (B, N_EMBD), dtype=jnp.float32)
    ratio = 1.0 - LAYER_ID / N_LAYER
    ddd = jnp.arange(N_EMBD, dtype=jnp.float32) / N_EMBD
    time_maa_k = (1.0 - jnp.power(ddd, ratio)).reshape(1, 1, N_EMBD)
    time_maa_r = (1.0 - jnp.power(ddd, ratio)).reshape(1, 1, N_EMBD)
    Wk = jax.random.normal(ks[3], (N_EXPERTS, N_EMBD, D_FF), dtype=jnp.float32) * 0.02
    Wv = jax.random.normal(ks[4], (N_EXPERTS, D_FF, N_EMBD), dtype=jnp.float32) * 0.02
    Wr = jax.random.normal(ks[5], (N_EMBD, N_EMBD), dtype=jnp.float32) * 0.02
    return {
        'x': x,
        'shift_state': shift_state,
        'time_maa_k': time_maa_k,
        'time_maa_r': time_maa_r,
        'Wk': Wk,
        'Wv': Wv,
        'Wr': Wr,
        'token_ids': token_ids,
    }


def _moe_hash_dispatch(xf, tid, Wk, Wv):
    # Hash-based top-1 routing (k=1, capacity_factor=1, drop_tokens=True)
    N, D = xf.shape
    E = Wk.shape[0]
    capacity = max(4, N // E)  # min_capacity=4, capacity_factor=1
    expert_idx = (tid.astype(jnp.int32) * HASH_PRIME) % E
    onehot = jax.nn.one_hot(expert_idx, E, dtype=jnp.int32)
    pos = jnp.sum(jnp.cumsum(onehot, axis=0) * onehot, axis=1) - 1
    keep = pos < capacity
    loc = expert_idx * capacity + jnp.minimum(pos, capacity - 1)
    loc_safe = jnp.where(keep, loc, 0)
    # dispatch (scatter)
    buf = jnp.zeros((E * capacity, D), dtype=xf.dtype)
    buf = buf.at[loc_safe].add(xf * keep[:, None].astype(xf.dtype))
    buf = buf.reshape(E, capacity, D)
    # expert FFN: relu(x @ Wk)^2 @ Wv
    h = jnp.square(jax.nn.relu(jnp.einsum('ecd,edf->ecf', buf, Wk)))
    out = jnp.einsum('ecf,efd->ecd', h, Wv).reshape(E * capacity, D)
    # combine (gather), gate weight = 1 for hash routing with k=1
    y = out[loc_safe] * keep[:, None].astype(xf.dtype)
    return y


def reference(x, shift_state, time_maa_k, time_maa_r, Wk, Wv, Wr, token_ids):
    Bx, Tx, D = x.shape
    dxprev = jnp.concatenate([shift_state[:, None, :], x[:, :-1]], axis=1) - x
    xk = x + dxprev * time_maa_k
    xr = x + dxprev * time_maa_r
    xf = xk.reshape(Bx * Tx, D)
    tid = token_ids.reshape(Bx * Tx)
    y = _moe_hash_dispatch(xf, tid, Wk, Wv).reshape(Bx, Tx, D)
    r = jax.nn.sigmoid(xr @ Wr.T)
    out = r * y
    new_shift_state = x[:, -1]
    return out, new_shift_state

if __name__ == "__main__":
    import jax
    _d = setup_inputs()
    print(jax.jit(kernel)(*tuple(_d.values())))

</pallas_src>

<mosaic_0001>
#map = affine_map<(d0, d1) -> (0, 0)>
module attributes {stable_mosaic.version = 14 : i64} {
  func.func @comb(%arg0: i32, %arg1: i32, %arg2: memref<8448x384xi32, #tpu.memory_space<hbm>>, %arg3: memref<64x128xi32, #tpu.memory_space<hbm>>, %arg4: memref<8192x384xi32, #tpu.memory_space<hbm>>, %arg5: memref<2x128xi32, #tpu.memory_space<vmem>>, %arg6: memref<128x384xi32, #tpu.memory_space<vmem>>, %arg7: memref<128x384xi32, #tpu.memory_space<vmem>>, %arg8: memref<!tpu.dma_semaphore, #tpu.memory_space<semaphore_mem>>, %arg9: memref<!tpu.dma_semaphore, #tpu.memory_space<semaphore_mem>>, %arg10: memref<!tpu.dma_semaphore, #tpu.memory_space<semaphore_mem>>, %arg11: memref<!tpu.dma_semaphore, #tpu.memory_space<semaphore_mem>>) attributes {dimension_semantics = [#tpu.dimension_semantics<core_parallel>, #tpu.dimension_semantics<subcore_parallel>], iteration_bounds = array<i64: 2, 16>, scalar_prefetch = 0 : i64, scratch_operands = 7 : i64, tpu.core_type = #tpu.core_type<sc_vector_subcore>, window_params = [{transform_indices = #map}, {transform_indices = #map}, {transform_indices = #map}]} {
    %mul3A = arith.constant 2 : i32
    %mul3A_0 = arith.muli %arg1, %mul3A : i32
    %add3A = arith.addi %mul3A_0, %arg0 : i32
    %mul3A_1 = arith.constant 256 : i32
    %mul3A_2 = arith.muli %add3A, %mul3A_1 : i32
    %mul3A_3 = arith.constant 2 : i32
    %mul3A_4 = arith.muli %add3A, %mul3A_3 : i32
    "tpu.region"() ({
      %run_scoped3A = tpu.sem_alloc : memref<!tpu.dma_semaphore, #tpu.memory_space<semaphore_mem>>
      %dma_start3A_55 = arith.constant 0 : i32
      %dma_start3A_56 = tpu.memref_slice %arg3[%mul3A_4, %dma_start3A_55] : memref<64x128xi32, #tpu.memory_space<hbm>> -> memref<2x128xi32, #tpu.memory_space<hbm>>
      %dma_start3A_57 = arith.constant 0 : i32
      %dma_start3A_58 = tpu.memref_slice %arg3[%mul3A_4, %dma_start3A_57] : memref<64x128xi32, #tpu.memory_space<hbm>> -> memref<2x128xi32, #tpu.memory_space<hbm>>
      tpu.enqueue_dma source(%dma_start3A_58 : memref<2x128xi32, #tpu.memory_space<hbm>>) target(%arg5 : memref<2x128xi32, #tpu.memory_space<vmem>>) target_semaphore(%run_scoped3A : memref<!tpu.dma_semaphore, #tpu.memory_space<semaphore_mem>>)
      %dma_wait3A_59 = arith.constant 0 : i32
      %dma_wait3A_60 = tpu.memref_slice %arg3[%mul3A_4, %dma_wait3A_59] : memref<64x128xi32, #tpu.memory_space<hbm>> -> memref<2x128xi32, #tpu.memory_space<hbm>>
      %dma_wait3A_61 = arith.constant 0 : i32
      %dma_wait3A_62 = tpu.memref_slice %arg3[%mul3A_4, %dma_wait3A_61] : memref<64x128xi32, #tpu.memory_space<hbm>> -> memref<2x128xi32, #tpu.memory_space<hbm>>
      tpu.wait_dma2 semaphore(%run_scoped3A : memref<!tpu.dma_semaphore, #tpu.memory_space<semaphore_mem>>) src(%dma_wait3A_62 : memref<2x128xi32, #tpu.memory_space<hbm>>) dst(%arg5 : memref<2x128xi32, #tpu.memory_space<vmem>>)
      tpu.yield
    }) : () -> ()
    %dma_start3A = arith.constant 0 : i32
    %dma_start3A_5 = arith.constant 0 : i32
    %dma_start3A_6 = tpu.memref_slice %arg5[%dma_start3A, %dma_start3A_5] : memref<2x128xi32, #tpu.memory_space<vmem>> -> memref<1x128xi32, #tpu.memory_space<vmem>>
    %dma_start3A_7 = tpu.memref_squeeze %dma_start3A_6 : memref<1x128xi32, #tpu.memory_space<vmem>> -> memref<128xi32, #tpu.memory_space<vmem>>
    %dma_start3A_8 = arith.constant 0 : i32
    %dma_start3A_9 = arith.constant 0 : i32
    %dma_start3A_10 = tpu.memref_slice %arg2[%dma_start3A_8, %dma_start3A_9] : memref<8448x384xi32, #tpu.memory_space<hbm>> -> memref<8448x384xi32, #tpu.memory_space<hbm>>
    tpu.enqueue_indirect_dma source(%dma_start3A_10 : memref<8448x384xi32, #tpu.memory_space<hbm>>) target(%arg6 : memref<128x384xi32, #tpu.memory_space<vmem>>) offsets(%dma_start3A_7 : memref<128xi32, #tpu.memory_space<vmem>>) semaphore(%arg8 : memref<!tpu.dma_semaphore, #tpu.memory_space<semaphore_mem>>)
    %dma_start3A_11 = arith.constant 1 : i32
    %dma_start3A_12 = arith.constant 0 : i32
    %dma_start3A_13 = tpu.memref_slice %arg5[%dma_start3A_11, %dma_start3A_12] : memref<2x128xi32, #tpu.memory_space<vmem>> -> memref<1x128xi32, #tpu.memory_space<vmem>>
    %dma_start3A_14 = tpu.memref_squeeze %dma_start3A_13 : memref<1x128xi32, #tpu.memory_space<vmem>> -> memref<128xi32, #tpu.memory_space<vmem>>
    %dma_start3A_15 = arith.constant 0 : i32
    %dma_start3A_16 = arith.constant 0 : i32
    %dma_start3A_17 = tpu.memref_slice %arg2[%dma_start3A_15, %dma_start3A_16] : memref<8448x384xi32, #tpu.memory_space<hbm>> -> memref<8448x384xi32, #tpu.memory_space<hbm>>
    tpu.enqueue_indirect_dma source(%dma_start3A_17 : memref<8448x384xi32, #tpu.memory_space<hbm>>) target(%arg7 : memref<128x384xi32, #tpu.memory_space<vmem>>) offsets(%dma_start3A_14 : memref<128xi32, #tpu.memory_space<vmem>>) semaphore(%arg9 : memref<!tpu.dma_semaphore, #tpu.memory_space<semaphore_mem>>)
    %dma_wait3A = arith.constant 0 : i32
    %dma_wait3A_18 = arith.constant 0 : i32
    %dma_wait3A_19 = tpu.memref_slice %arg5[%dma_wait3A, %dma_wait3A_18] : memref<2x128xi32, #tpu.memory_space<vmem>> -> memref<1x128xi32, #tpu.memory_space<vmem>>
    %dma_wait3A_20 = tpu.memref_squeeze %dma_wait3A_19 : memref<1x128xi32, #tpu.memory_space<vmem>> -> memref<128xi32, #tpu.memory_space<vmem>>
    %dma_wait3A_21 = arith.constant 0 : i32
    %dma_wait3A_22 = arith.constant 0 : i32
    %dma_wait3A_23 = tpu.memref_slice %arg2[%dma_wait3A_21, %dma_wait3A_22] : memref<8448x384xi32, #tpu.memory_space<hbm>> -> memref<8448x384xi32, #tpu.memory_space<hbm>>
    tpu.wait_indirect_dma semaphore(%arg8 : memref<!tpu.dma_semaphore, #tpu.memory_space<semaphore_mem>>) src(%dma_wait3A_23 : memref<8448x384xi32, #tpu.memory_space<hbm>>) dst(%arg6 : memref<128x384xi32, #tpu.memory_space<vmem>>)
    %add3A_24 = arith.constant 0 : i32
    %add3A_25 = arith.addi %mul3A_2, %add3A_24 : i32
    %dma_start3A_26 = arith.constant 0 : i32
    %dma_start3A_27 = tpu.memref_slice %arg4[%add3A_25, %dma_start3A_26] : memref<8192x384xi32, #tpu.memory_space<hbm>> -> memref<128x384xi32, #tpu.memory_space<hbm>>
    %dma_start3A_28 = arith.constant 0 : i32
    %dma_start3A_29 = tpu.memref_slice %arg4[%add3A_25, %dma_start3A_28] : memref<8192x384xi32, #tpu.memory_space<hbm>> -> memref<128x384xi32, #tpu.memory_space<hbm>>
    tpu.enqueue_dma source(%arg6 : memref<128x384xi32, #tpu.memory_space<vmem>>) target(%dma_start3A_29 : memref<128x384xi32, #tpu.memory_space<hbm>>) target_semaphore(%arg10 : memref<!tpu.dma_semaphore, #tpu.memory_space<semaphore_mem>>)
    %dma_wait3A_30 = arith.constant 1 : i32
    %dma_wait3A_31 = arith.constant 0 : i32
    %dma_wait3A_32 = tpu.memref_slice %arg5[%dma_wait3A_30, %dma_wait3A_31] : memref<2x128xi32, #tpu.memory_space<vmem>> -> memref<1x128xi32, #tpu.memory_space<vmem>>
    %dma_wait3A_33 = tpu.memref_squeeze %dma_wait3A_32 : memref<1x128xi32, #tpu.memory_space<vmem>> -> memref<128xi32, #tpu.memory_space<vmem>>
    %dma_wait3A_34 = arith.constant 0 : i32
    %dma_wait3A_35 = arith.constant 0 : i32
    %dma_wait3A_36 = tpu.memref_slice %arg2[%dma_wait3A_34, %dma_wait3A_35] : memref<8448x384xi32, #tpu.memory_space<hbm>> -> memref<8448x384xi32, #tpu.memory_space<hbm>>
    tpu.wait_indirect_dma semaphore(%arg9 : memref<!tpu.dma_semaphore, #tpu.memory_space<semaphore_mem>>) src(%dma_wait3A_36 : memref<8448x384xi32, #tpu.memory_space<hbm>>) dst(%arg7 : memref<128x384xi32, #tpu.memory_space<vmem>>)
    %add3A_37 = arith.constant 128 : i32
    %add3A_38 = arith.addi %mul3A_2, %add3A_37 : i32
    %dma_start3A_39 = arith.constant 0 : i32
    %dma_start3A_40 = tpu.memref_slice %arg4[%add3A_38, %dma_start3A_39] : memref<8192x384xi32, #tpu.memory_space<hbm>> -> memref<128x384xi32, #tpu.memory_space<hbm>>
    %dma_start3A_41 = arith.constant 0 : i32
    %dma_start3A_42 = tpu.memref_slice %arg4[%add3A_38, %dma_start3A_41] : memref<8192x384xi32, #tpu.memory_space<hbm>> -> memref<128x384xi32, #tpu.memory_space<hbm>>
    tpu.enqueue_dma source(%arg7 : memref<128x384xi32, #tpu.memory_space<vmem>>) target(%dma_start3A_42 : memref<128x384xi32, #tpu.memory_space<hbm>>) target_semaphore(%arg11 : memref<!tpu.dma_semaphore, #tpu.memory_space<semaphore_mem>>)
    %add3A_43 = arith.constant 0 : i32
    %add3A_44 = arith.addi %mul3A_2, %add3A_43 : i32
    %dma_wait3A_45 = arith.constant 0 : i32
    %dma_wait3A_46 = tpu.memref_slice %arg4[%add3A_44, %dma_wait3A_45] : memref<8192x384xi32, #tpu.memory_space<hbm>> -> memref<128x384xi32, #tpu.memory_space<hbm>>
    %dma_wait3A_47 = arith.constant 0 : i32
    %dma_wait3A_48 = tpu.memref_slice %arg4[%add3A_44, %dma_wait3A_47] : memref<8192x384xi32, #tpu.memory_space<hbm>> -> memref<128x384xi32, #tpu.memory_space<hbm>>
    tpu.wait_dma2 semaphore(%arg10 : memref<!tpu.dma_semaphore, #tpu.memory_space<semaphore_mem>>) src(%arg6 : memref<128x384xi32, #tpu.memory_space<vmem>>) dst(%dma_wait3A_48 : memref<128x384xi32, #tpu.memory_space<hbm>>)
    %add3A_49 = arith.constant 128 : i32
    %add3A_50 = arith.addi %mul3A_2, %add3A_49 : i32
    %dma_wait3A_51 = arith.constant 0 : i32
    %dma_wait3A_52 = tpu.memref_slice %arg4[%add3A_50, %dma_wait3A_51] : memref<8192x384xi32, #tpu.memory_space<hbm>> -> memref<128x384xi32, #tpu.memory_space<hbm>>
    %dma_wait3A_53 = arith.constant 0 : i32
    %dma_wait3A_54 = tpu.memref_slice %arg4[%add3A_50, %dma_wait3A_53] : memref<8192x384xi32, #tpu.memory_space<hbm>> -> memref<128x384xi32, #tpu.memory_space<hbm>>
    tpu.wait_dma2 semaphore(%arg11 : memref<!tpu.dma_semaphore, #tpu.memory_space<semaphore_mem>>) src(%arg7 : memref<128x384xi32, #tpu.memory_space<vmem>>) dst(%dma_wait3A_54 : memref<128x384xi32, #tpu.memory_space<hbm>>)
    return
  }
}

#map = affine_map<(d0, d1) -> (0, 0)>
module attributes {stable_mosaic.version = 14 : i64} {
  func.func @disp(%arg0: i32, %arg1: i32, %arg2: memref<8192x384xi32, #tpu.memory_space<hbm>>, %arg3: memref<64x128xi32, #tpu.memory_space<hbm>>, %arg4: memref<8448x384xi32, #tpu.memory_space<hbm>>, %arg5: memref<2x128xi32, #tpu.memory_space<vmem>>, %arg6: memref<128x384xi32, #tpu.memory_space<vmem>>, %arg7: memref<128x384xi32, #tpu.memory_space<vmem>>, %arg8: memref<!tpu.dma_semaphore, #tpu.memory_space<semaphore_mem>>, %arg9: memref<!tpu.dma_semaphore, #tpu.memory_space<semaphore_mem>>, %arg10: memref<!tpu.dma_semaphore, #tpu.memory_space<semaphore_mem>>, %arg11: memref<!tpu.dma_semaphore, #tpu.memory_space<semaphore_mem>>) attributes {dimension_semantics = [#tpu.dimension_semantics<core_parallel>, #tpu.dimension_semantics<subcore_parallel>], iteration_bounds = array<i64: 2, 16>, scalar_prefetch = 0 : i64, scratch_operands = 7 : i64, tpu.core_type = #tpu.core_type<sc_vector_subcore>, window_params = [{transform_indices = #map}, {transform_indices = #map}, {transform_indices = #map}]} {
    %mul3A = arith.constant 2 : i32
    %mul3A_0 = arith.muli %arg1, %mul3A : i32
    %add3A = arith.addi %mul3A_0, %arg0 : i32
    %mul3A_1 = arith.constant 256 : i32
    %mul3A_2 = arith.muli %add3A, %mul3A_1 : i32
    %mul3A_3 = arith.constant 2 : i32
    %mul3A_4 = arith.muli %add3A, %mul3A_3 : i32
    "tpu.region"() ({
      %run_scoped3A = tpu.sem_alloc : memref<!tpu.dma_semaphore, #tpu.memory_space<semaphore_mem>>
      %dma_start3A_55 = arith.constant 0 : i32
      %dma_start3A_56 = tpu.memref_slice %arg3[%mul3A_4, %dma_start3A_55] : memref<64x128xi32, #tpu.memory_space<hbm>> -> memref<2x128xi32, #tpu.memory_space<hbm>>
      %dma_start3A_57 = arith.constant 0 : i32
      %dma_start3A_58 = tpu.memref_slice %arg3[%mul3A_4, %dma_start3A_57] : memref<64x128xi32, #tpu.memory_space<hbm>> -> memref<2x128xi32, #tpu.memory_space<hbm>>
      tpu.enqueue_dma source(%dma_start3A_58 : memref<2x128xi32, #tpu.memory_space<hbm>>) target(%arg5 : memref<2x128xi32, #tpu.memory_space<vmem>>) target_semaphore(%run_scoped3A : memref<!tpu.dma_semaphore, #tpu.memory_space<semaphore_mem>>)
      %dma_wait3A_59 = arith.constant 0 : i32
      %dma_wait3A_60 = tpu.memref_slice %arg3[%mul3A_4, %dma_wait3A_59] : memref<64x128xi32, #tpu.memory_space<hbm>> -> memref<2x128xi32, #tpu.memory_space<hbm>>
      %dma_wait3A_61 = arith.constant 0 : i32
      %dma_wait3A_62 = tpu.memref_slice %arg3[%mul3A_4, %dma_wait3A_61] : memref<64x128xi32, #tpu.memory_space<hbm>> -> memref<2x128xi32, #tpu.memory_space<hbm>>
      tpu.wait_dma2 semaphore(%run_scoped3A : memref<!tpu.dma_semaphore, #tpu.memory_space<semaphore_mem>>) src(%dma_wait3A_62 : memref<2x128xi32, #tpu.memory_space<hbm>>) dst(%arg5 : memref<2x128xi32, #tpu.memory_space<vmem>>)
      tpu.yield
    }) : () -> ()
    %add3A_5 = arith.constant 0 : i32
    %add3A_6 = arith.addi %mul3A_2, %add3A_5 : i32
    %dma_start3A = arith.constant 0 : i32
    %dma_start3A_7 = tpu.memref_slice %arg2[%add3A_6, %dma_start3A] : memref<8192x384xi32, #tpu.memory_space<hbm>> -> memref<128x384xi32, #tpu.memory_space<hbm>>
    %dma_start3A_8 = arith.constant 0 : i32
    %dma_start3A_9 = tpu.memref_slice %arg2[%add3A_6, %dma_start3A_8] : memref<8192x384xi32, #tpu.memory_space<hbm>> -> memref<128x384xi32, #tpu.memory_space<hbm>>
    tpu.enqueue_dma source(%dma_start3A_9 : memref<128x384xi32, #tpu.memory_space<hbm>>) target(%arg6 : memref<128x384xi32, #tpu.memory_space<vmem>>) target_semaphore(%arg8 : memref<!tpu.dma_semaphore, #tpu.memory_space<semaphore_mem>>)
    %add3A_10 = arith.constant 128 : i32
    %add3A_11 = arith.addi %mul3A_2, %add3A_10 : i32
    %dma_start3A_12 = arith.constant 0 : i32
    %dma_start3A_13 = tpu.memref_slice %arg2[%add3A_11, %dma_start3A_12] : memref<8192x384xi32, #tpu.memory_space<hbm>> -> memref<128x384xi32, #tpu.memory_space<hbm>>
    %dma_start3A_14 = arith.constant 0 : i32
    %dma_start3A_15 = tpu.memref_slice %arg2[%add3A_11, %dma_start3A_14] : memref<8192x384xi32, #tpu.memory_space<hbm>> -> memref<128x384xi32, #tpu.memory_space<hbm>>
    tpu.enqueue_dma source(%dma_start3A_15 : memref<128x384xi32, #tpu.memory_space<hbm>>) target(%arg7 : memref<128x384xi32, #tpu.memory_space<vmem>>) target_semaphore(%arg9 : memref<!tpu.dma_semaphore, #tpu.memory_space<semaphore_mem>>)
    %add3A_16 = arith.constant 0 : i32
    %add3A_17 = arith.addi %mul3A_2, %add3A_16 : i32
    %dma_wait3A = arith.constant 0 : i32
    %dma_wait3A_18 = tpu.memref_slice %arg2[%add3A_17, %dma_wait3A] : memref<8192x384xi32, #tpu.memory_space<hbm>> -> memref<128x384xi32, #tpu.memory_space<hbm>>
    %dma_wait3A_19 = arith.constant 0 : i32
    %dma_wait3A_20 = tpu.memref_slice %arg2[%add3A_17, %dma_wait3A_19] : memref<8192x384xi32, #tpu.memory_space<hbm>> -> memref<128x384xi32, #tpu.memory_space<hbm>>
    tpu.wait_dma2 semaphore(%arg8 : memref<!tpu.dma_semaphore, #tpu.memory_space<semaphore_mem>>) src(%dma_wait3A_20 : memref<128x384xi32, #tpu.memory_space<hbm>>) dst(%arg6 : memref<128x384xi32, #tpu.memory_space<vmem>>)
    %dma_start3A_21 = arith.constant 0 : i32
    %dma_start3A_22 = arith.constant 0 : i32
    %dma_start3A_23 = tpu.memref_slice %arg5[%dma_start3A_21, %dma_start3A_22] : memref<2x128xi32, #tpu.memory_space<vmem>> -> memref<1x128xi32, #tpu.memory_space<vmem>>
    %dma_start3A_24 = tpu.memref_squeeze %dma_start3A_23 : memref<1x128xi32, #tpu.memory_space<vmem>> -> memref<128xi32, #tpu.memory_space<vmem>>
    %dma_start3A_25 = arith.constant 0 : i32
    %dma_start3A_26 = arith.constant 0 : i32
    %dma_start3A_27 = tpu.memref_slice %arg4[%dma_start3A_25, %dma_start3A_26] : memref<8448x384xi32, #tpu.memory_space<hbm>> -> memref<8448x384xi32, #tpu.memory_space<hbm>>
    tpu.enqueue_indirect_dma source(%arg6 : memref<128x384xi32, #tpu.memory_space<vmem>>) target(%dma_start3A_27 : memref<8448x384xi32, #tpu.memory_space<hbm>>) offsets(%dma_start3A_24 : memref<128xi32, #tpu.memory_space<vmem>>) semaphore(%arg10 : memref<!tpu.dma_semaphore, #tpu.memory_space<semaphore_mem>>)
    %add3A_28 = arith.constant 128 : i32
    %add3A_29 = arith.addi %mul3A_2, %add3A_28 : i32
    %dma_wait3A_30 = arith.constant 0 : i32
    %dma_wait3A_31 = tpu.memref_slice %arg2[%add3A_29, %dma_wait3A_30] : memref<8192x384xi32, #tpu.memory_space<hbm>> -> memref<128x384xi32, #tpu.memory_space<hbm>>
    %dma_wait3A_32 = arith.constant 0 : i32
    %dma_wait3A_33 = tpu.memref_slice %arg2[%add3A_29, %dma_wait3A_32] : memref<8192x384xi32, #tpu.memory_space<hbm>> -> memref<128x384xi32, #tpu.memory_space<hbm>>
    tpu.wait_dma2 semaphore(%arg9 : memref<!tpu.dma_semaphore, #tpu.memory_space<semaphore_mem>>) src(%dma_wait3A_33 : memref<128x384xi32, #tpu.memory_space<hbm>>) dst(%arg7 : memref<128x384xi32, #tpu.memory_space<vmem>>)
    %dma_start3A_34 = arith.constant 1 : i32
    %dma_start3A_35 = arith.constant 0 : i32
    %dma_start3A_36 = tpu.memref_slice %arg5[%dma_start3A_34, %dma_start3A_35] : memref<2x128xi32, #tpu.memory_space<vmem>> -> memref<1x128xi32, #tpu.memory_space<vmem>>
    %dma_start3A_37 = tpu.memref_squeeze %dma_start3A_36 : memref<1x128xi32, #tpu.memory_space<vmem>> -> memref<128xi32, #tpu.memory_space<vmem>>
    %dma_start3A_38 = arith.constant 0 : i32
    %dma_start3A_39 = arith.constant 0 : i32
    %dma_start3A_40 = tpu.memref_slice %arg4[%dma_start3A_38, %dma_start3A_39] : memref<8448x384xi32, #tpu.memory_space<hbm>> -> memref<8448x384xi32, #tpu.memory_space<hbm>>
    tpu.enqueue_indirect_dma source(%arg7 : memref<128x384xi32, #tpu.memory_space<vmem>>) target(%dma_start3A_40 : memref<8448x384xi32, #tpu.memory_space<hbm>>) offsets(%dma_start3A_37 : memref<128xi32, #tpu.memory_space<vmem>>) semaphore(%arg11 : memref<!tpu.dma_semaphore, #tpu.memory_space<semaphore_mem>>)
    %dma_wait3A_41 = arith.constant 0 : i32
    %dma_wait3A_42 = arith.constant 0 : i32
    %dma_wait3A_43 = tpu.memref_slice %arg5[%dma_wait3A_41, %dma_wait3A_42] : memref<2x128xi32, #tpu.memory_space<vmem>> -> memref<1x128xi32, #tpu.memory_space<vmem>>
    %dma_wait3A_44 = tpu.memref_squeeze %dma_wait3A_43 : memref<1x128xi32, #tpu.memory_space<vmem>> -> memref<128xi32, #tpu.memory_space<vmem>>
    %dma_wait3A_45 = arith.constant 0 : i32
    %dma_wait3A_46 = arith.constant 0 : i32
    %dma_wait3A_47 = tpu.memref_slice %arg4[%dma_wait3A_45, %dma_wait3A_46] : memref<8448x384xi32, #tpu.memory_space<hbm>> -> memref<8448x384xi32, #tpu.memory_space<hbm>>
    tpu.wait_indirect_dma semaphore(%arg10 : memref<!tpu.dma_semaphore, #tpu.memory_space<semaphore_mem>>) src(%arg6 : memref<128x384xi32, #tpu.memory_space<vmem>>) dst(%dma_wait3A_47 : memref<8448x384xi32, #tpu.memory_space<hbm>>)
    %dma_wait3A_48 = arith.constant 1 : i32
    %dma_wait3A_49 = arith.constant 0 : i32
    %dma_wait3A_50 = tpu.memref_slice %arg5[%dma_wait3A_48, %dma_wait3A_49] : memref<2x128xi32, #tpu.memory_space<vmem>> -> memref<1x128xi32, #tpu.memory_space<vmem>>
    %dma_wait3A_51 = tpu.memref_squeeze %dma_wait3A_50 : memref<1x128xi32, #tpu.memory_space<vmem>> -> memref<128xi32, #tpu.memory_space<vmem>>
    %dma_wait3A_52 = arith.constant 0 : i32
    %dma_wait3A_53 = arith.constant 0 : i32
    %dma_wait3A_54 = tpu.memref_slice %arg4[%dma_wait3A_52, %dma_wait3A_53] : memref<8448x384xi32, #tpu.memory_space<hbm>> -> memref<8448x384xi32, #tpu.memory_space<hbm>>
    tpu.wait_indirect_dma semaphore(%arg11 : memref<!tpu.dma_semaphore, #tpu.memory_space<semaphore_mem>>) src(%arg7 : memref<128x384xi32, #tpu.memory_space<vmem>>) dst(%dma_wait3A_54 : memref<8448x384xi32, #tpu.memory_space<hbm>>)
    return
  }
}

module attributes {stable_mosaic.version = 14 : i64} {
  func.func @_ffn_body(%arg0: i32, %arg1: memref<256x384xi32, #tpu.memory_space<vmem>>, %arg2: memref<2x768x768xf32, #tpu.memory_space<vmem>>, %arg3: memref<2x768x768xf32, #tpu.memory_space<vmem>>, %arg4: memref<256x384xi32, #tpu.memory_space<vmem>>) attributes {dimension_semantics = [#tpu.dimension_semantics<arbitrary>], iteration_bounds = array<i64: 33>, scalar_prefetch = 0 : i64, scratch_operands = 0 : i64, tpu.core_type = #tpu.core_type<tc>, window_params = [{transform_indices = @transform_0, window_bounds = array<i64: 256, 384>}, {transform_indices = @transform_1, window_bounds = array<i64: 2, 768, 768>}, {transform_indices = @transform_2, window_bounds = array<i64: 2, 768, 768>}, {transform_indices = @transform_3, window_bounds = array<i64: 256, 384>}]} {
    %lt3A = arith.constant 32 : i32
    %lt3A_0 = arith.cmpi slt, %arg0, %lt3A : i32
    %convert_element_type3A = arith.extui %lt3A_0 : i1 to i32
    %cond3A = arith.constant 0 : i32
    %cond3A_1 = arith.cmpi ne, %convert_element_type3A, %cond3A : i32
    scf.if %cond3A_1 {
      %get3A = arith.constant 0 : index
      %get3A_6 = arith.constant 0 : index
      %get3A_7 = vector.load %arg1[%get3A, %get3A_6] : memref<256x384xi32, #tpu.memory_space<vmem>>, vector<128x384xi32>
      %bitcast_convert_type3A = tpu.bitcast %get3A_7 : vector<128x384xi32> -> vector<128x384xi32>
      %shift_left3A = arith.constant 16 : i32
      %shift_left3A_8 = vector.broadcast %shift_left3A : i32 to vector<128x384xi32>
      %shift_left3A_9 = arith.shli %bitcast_convert_type3A, %shift_left3A_8 : vector<128x384xi32>
      %bitcast_convert_type3A_10 = tpu.bitcast %shift_left3A_9 : vector<128x384xi32> -> vector<128x384xf32>
      %and3A = arith.constant -65536 : i32
      %and3A_11 = vector.broadcast %and3A : i32 to vector<128x384xi32>
      %and3A_12 = arith.andi %bitcast_convert_type3A, %and3A_11 : vector<128x384xi32>
      %bitcast_convert_type3A_13 = tpu.bitcast %and3A_12 : vector<128x384xi32> -> vector<128x384xf32>
      %concatenate3A = tpu.concatenate %bitcast_convert_type3A_10, %bitcast_convert_type3A_13 in 1 : vector<128x384xf32>, vector<128x384xf32> -> vector<128x768xf32>
      %get3A_14 = arith.constant 0 : index
      %get3A_15 = arith.constant 0 : index
      %get3A_16 = arith.constant 0 : index
      %get3A_17 = vector.load %arg2[%get3A_14, %get3A_15, %get3A_16] : memref<2x768x768xf32, #tpu.memory_space<vmem>>, vector<1x768x768xf32>
      %get3A_18 = vector.shape_cast %get3A_17 : vector<1x768x768xf32> to vector<768x768xf32>
      %dot_general3A = arith.constant dense<0.000000e+00> : vector<128x768xf32>
      %dot_general3A_19 = tpu.matmul %concatenate3A, %get3A_18, %dot_general3A {dimension_numbers = #tpu.dot_dimension_numbers<[1], [0], [0], [1], [0, 0, 1, 1], [], []>, transpose_lhs_hint = false} : vector<128x768xf32>, vector<768x768xf32>, vector<128x768xf32> -> vector<128x768xf32>
      %max3A = arith.constant 0.000000e+00 : f32
      %max3A_20 = vector.broadcast %max3A : f32 to vector<128x768xf32>
      %max3A_21 = arith.maximumf %dot_general3A_19, %max3A_20 : vector<128x768xf32>
      %square3A = arith.mulf %max3A_21, %max3A_21 : vector<128x768xf32>
      %get3A_22 = arith.constant 0 : index
      %get3A_23 = arith.constant 0 : index
      %get3A_24 = arith.constant 0 : index
      %get3A_25 = vector.load %arg3[%get3A_22, %get3A_23, %get3A_24] : memref<2x768x768xf32, #tpu.memory_space<vmem>>, vector<1x768x768xf32>
      %get3A_26 = vector.shape_cast %get3A_25 : vector<1x768x768xf32> to vector<768x768xf32>
      %dot_general3A_27 = arith.constant dense<0.000000e+00> : vector<128x768xf32>
      %dot_general3A_28 = tpu.matmul %square3A, %get3A_26, %dot_general3A_27 {dimension_numbers = #tpu.dot_dimension_numbers<[1], [0], [0], [1], [0, 0, 1, 1], [], []>, transpose_lhs_hint = false} : vector<128x768xf32>, vector<768x768xf32>, vector<128x768xf32> -> vector<128x768xf32>
      %bitcast_convert_type3A_29 = tpu.bitcast %dot_general3A_28 : vector<128x768xf32> -> vector<128x768xi32>
      %slice3A = vector.extract_strided_slice %bitcast_convert_type3A_29 {offsets = [0, 0], sizes = [128, 384], strides = [1, 1]} : vector<128x768xi32> to vector<128x384xi32>
      %add3A = arith.constant 32768 : i32
      %add3A_30 = vector.broadcast %add3A : i32 to vector<128x384xi32>
      %add3A_31 = arith.addi %slice3A, %add3A_30 : vector<128x384xi32>
      %shift_right_logical3A = arith.constant 16 : i32
      %shift_right_logical3A_32 = vector.broadcast %shift_right_logical3A : i32 to vector<128x384xi32>
      %shift_right_logical3A_33 = arith.shrui %add3A_31, %shift_right_logical3A_32 : vector<128x384xi32>
      %slice3A_34 = vector.extract_strided_slice %bitcast_convert_type3A_29 {offsets = [0, 384], sizes = [128, 384], strides = [1, 1]} : vector<128x768xi32> to vector<128x384xi32>
      %add3A_35 = arith.constant 32768 : i32
      %add3A_36 = vector.broadcast %add3A_35 : i32 to vector<128x384xi32>
      %add3A_37 = arith.addi %slice3A_34, %add3A_36 : vector<128x384xi32>
      %and3A_38 = arith.constant -65536 : i32
      %and3A_39 = vector.broadcast %and3A_38 : i32 to vector<128x384xi32>
      %and3A_40 = arith.andi %add3A_37, %and3A_39 : vector<128x384xi32>
      %or3A = arith.ori %shift_right_logical3A_33, %and3A_40 : vector<128x384xi32>
      %bitcast_convert_type3A_41 = tpu.bitcast %or3A : vector<128x384xi32> -> vector<128x384xi32>
      %swap3A = arith.constant 0 : index
      %swap3A_42 = arith.constant 0 : index
      %swap3A_43 = vector.load %arg4[%swap3A, %swap3A_42] : memref<256x384xi32, #tpu.memory_space<vmem>>, vector<128x384xi32>
      tpu.vector_store %arg4[%swap3A, %swap3A_42], %bitcast_convert_type3A_41 {strides = array<i32>} : memref<256x384xi32, #tpu.memory_space<vmem>>, vector<128x384xi32>,
      %get3A_44 = arith.constant 128 : index
      %get3A_45 = arith.constant 0 : index
      %get3A_46 = vector.load %arg1[%get3A_44, %get3A_45] : memref<256x384xi32, #tpu.memory_space<vmem>>, vector<128x384xi32>
      %bitcast_convert_type3A_47 = tpu.bitcast %get3A_46 : vector<128x384xi32> -> vector<128x384xi32>
      %shift_left3A_48 = arith.constant 16 : i32
      %shift_left3A_49 = vector.broadcast %shift_left3A_48 : i32 to vector<128x384xi32>
      %shift_left3A_50 = arith.shli %bitcast_convert_type3A_47, %shift_left3A_49 : vector<128x384xi32>
      %bitcast_convert_type3A_51 = tpu.bitcast %shift_left3A_50 : vector<128x384xi32> -> vector<128x384xf32>
      %and3A_52 = arith.constant -65536 : i32
      %and3A_53 = vector.broadcast %and3A_52 : i32 to vector<128x384xi32>
      %and3A_54 = arith.andi %bitcast_convert_type3A_47, %and3A_53 : vector<128x384xi32>
      %bitcast_convert_type3A_55 = tpu.bitcast %and3A_54 : vector<128x384xi32> -> vector<128x384xf32>
      %concatenate3A_56 = tpu.concatenate %bitcast_convert_type3A_51, %bitcast_convert_type3A_55 in 1 : vector<128x384xf32>, vector<128x384xf32> -> vector<128x768xf32>
      %get3A_57 = arith.constant 1 : index
      %get3A_58 = arith.constant 0 : index
      %get3A_59 = arith.constant 0 : index
      %get3A_60 = vector.load %arg2[%get3A_57, %get3A_58, %get3A_59] : memref<2x768x768xf32, #tpu.memory_space<vmem>>, vector<1x768x768xf32>
      %get3A_61 = vector.shape_cast %get3A_60 : vector<1x768x768xf32> to vector<768x768xf32>
      %dot_general3A_62 = arith.constant dense<0.000000e+00> : vector<128x768xf32>
      %dot_general3A_63 = tpu.matmul %concatenate3A_56, %get3A_61, %dot_general3A_62 {dimension_numbers = #tpu.dot_dimension_numbers<[1], [0], [0], [1], [0, 0, 1, 1], [], []>, transpose_lhs_hint = false} : vector<128x768xf32>, vector<768x768xf32>, vector<128x768xf32> -> vector<128x768xf32>
      %max3A_64 = arith.constant 0.000000e+00 : f32
      %max3A_65 = vector.broadcast %max3A_64 : f32 to vector<128x768xf32>
      %max3A_66 = arith.maximumf %dot_general3A_63, %max3A_65 : vector<128x768xf32>
      %square3A_67 = arith.mulf %max3A_66, %max3A_66 : vector<128x768xf32>
      %get3A_68 = arith.constant 1 : index
      %get3A_69 = arith.constant 0 : index
      %get3A_70 = arith.constant 0 : index
      %get3A_71 = vector.load %arg3[%get3A_68, %get3A_69, %get3A_70] : memref<2x768x768xf32, #tpu.memory_space<vmem>>, vector<1x768x768xf32>
      %get3A_72 = vector.shape_cast %get3A_71 : vector<1x768x768xf32> to vector<768x768xf32>
      %dot_general3A_73 = arith.constant dense<0.000000e+00> : vector<128x768xf32>
      %dot_general3A_74 = tpu.matmul %square3A_67, %get3A_72, %dot_general3A_73 {dimension_numbers = #tpu.dot_dimension_numbers<[1], [0], [0], [1], [0, 0, 1, 1], [], []>, transpose_lhs_hint = false} : vector<128x768xf32>, vector<768x768xf32>, vector<128x768xf32> -> vector<128x768xf32>
      %bitcast_convert_type3A_75 = tpu.bitcast %dot_general3A_74 : vector<128x768xf32> -> vector<128x768xi32>
      %slice3A_76 = vector.extract_strided_slice %bitcast_convert_type3A_75 {offsets = [0, 0], sizes = [128, 384], strides = [1, 1]} : vector<128x768xi32> to vector<128x384xi32>
      %add3A_77 = arith.constant 32768 : i32
      %add3A_78 = vector.broadcast %add3A_77 : i32 to vector<128x384xi32>
      %add3A_79 = arith.addi %slice3A_76, %add3A_78 : vector<128x384xi32>
      %shift_right_logical3A_80 = arith.constant 16 : i32
      %shift_right_logical3A_81 = vector.broadcast %shift_right_logical3A_80 : i32 to vector<128x384xi32>
      %shift_right_logical3A_82 = arith.shrui %add3A_79, %shift_right_logical3A_81 : vector<128x384xi32>
      %slice3A_83 = vector.extract_strided_slice %bitcast_convert_type3A_75 {offsets = [0, 384], sizes = [128, 384], strides = [1, 1]} : vector<128x768xi32> to vector<128x384xi32>
      %add3A_84 = arith.constant 32768 : i32
      %add3A_85 = vector.broadcast %add3A_84 : i32 to vector<128x384xi32>
      %add3A_86 = arith.addi %slice3A_83, %add3A_85 : vector<128x384xi32>
      %and3A_87 = arith.constant -65536 : i32
      %and3A_88 = vector.broadcast %and3A_87 : i32 to vector<128x384xi32>
      %and3A_89 = arith.andi %add3A_86, %and3A_88 : vector<128x384xi32>
      %or3A_90 = arith.ori %shift_right_logical3A_82, %and3A_89 : vector<128x384xi32>
      %bitcast_convert_type3A_91 = tpu.bitcast %or3A_90 : vector<128x384xi32> -> vector<128x384xi32>
      %swap3A_92 = arith.constant 128 : index
      %swap3A_93 = arith.constant 0 : index
      %swap3A_94 = vector.load %arg4[%swap3A_92, %swap3A_93] : memref<256x384xi32, #tpu.memory_space<vmem>>, vector<128x384xi32>
      tpu.vector_store %arg4[%swap3A_92, %swap3A_93], %bitcast_convert_type3A_91 {strides = array<i32>} : memref<256x384xi32, #tpu.memory_space<vmem>>, vector<128x384xi32>,
    } else {
    }
    %eq3A = arith.constant 32 : i32
    %eq3A_2 = arith.cmpi eq, %arg0, %eq3A : i32
    %convert_element_type3A_3 = arith.extui %eq3A_2 : i1 to i32
    %cond3A_4 = arith.constant 0 : i32
    %cond3A_5 = arith.cmpi ne, %convert_element_type3A_3, %cond3A_4 : i32
    scf.if %cond3A_5 {
      %broadcast_in_dim3A = arith.constant 0 : i32
      %broadcast_in_dim3A_6 = vector.broadcast %broadcast_in_dim3A : i32 to vector<256x384xi32>
      %swap3A = arith.constant 0 : index
      %swap3A_7 = arith.constant 0 : index
      %swap3A_8 = vector.load %arg4[%swap3A, %swap3A_7] : memref<256x384xi32, #tpu.memory_space<vmem>>, vector<256x384xi32>
      tpu.vector_store %arg4[%swap3A, %swap3A_7], %broadcast_in_dim3A_6 {strides = array<i32>} : memref<256x384xi32, #tpu.memory_space<vmem>>, vector<256x384xi32>,
    } else {
    }
    return
  }
  func.func @transform_0(%arg0: i32) -> (i32, i32) {
    %min3A = arith.constant 31 : i32
    %min3A_0 = arith.minsi %arg0, %min3A : i32
    %c0_i32 = arith.constant 0 : i32
    %c0_i32_1 = arith.constant 0 : i32
    return %min3A_0, %c0_i32 : i32, i32
  }
  func.func @transform_1(%arg0: i32) -> (i32, i32, i32) {
    %min3A = arith.constant 31 : i32
    %min3A_0 = arith.minsi %arg0, %min3A : i32
    %c0_i32 = arith.constant 0 : i32
    %c0_i32_1 = arith.constant 0 : i32
    %c0_i32_2 = arith.constant 0 : i32
    return %min3A_0, %c0_i32, %c0_i32_1 : i32, i32, i32
  }
  func.func @transform_2(%arg0: i32) -> (i32, i32, i32) {
    %min3A = arith.constant 31 : i32
    %min3A_0 = arith.minsi %arg0, %min3A : i32
    %c0_i32 = arith.constant 0 : i32
    %c0_i32_1 = arith.constant 0 : i32
    %c0_i32_2 = arith.constant 0 : i32
    return %min3A_0, %c0_i32, %c0_i32_1 : i32, i32, i32
  }
  func.func @transform_3(%arg0: i32) -> (i32, i32) {
    %c0_i32 = arith.constant 0 : i32
    %c0_i32_0 = arith.constant 0 : i32
    return %arg0, %c0_i32 : i32, i32
  }
}

module attributes {stable_mosaic.version = 14 : i64} {
  func.func @_gate_body(%arg0: i32, %arg1: memref<2048x384xi32, #tpu.memory_space<vmem>>, %arg2: memref<2048x384xi32, #tpu.memory_space<vmem>>, %arg3: memref<2048x768xf32, #tpu.memory_space<vmem>>) attributes {dimension_semantics = [#tpu.dimension_semantics<arbitrary>], iteration_bounds = array<i64: 4>, scalar_prefetch = 0 : i64, scratch_operands = 0 : i64, tpu.core_type = #tpu.core_type<tc>, window_params = [{transform_indices = @transform_0, window_bounds = array<i64: 2048, 384>}, {transform_indices = @transform_1, window_bounds = array<i64: 2048, 384>}, {transform_indices = @transform_2, window_bounds = array<i64: 2048, 768>}]} {
    %get3A = arith.constant 0 : index
    %get3A_0 = arith.constant 0 : index
    %get3A_1 = vector.load %arg1[%get3A, %get3A_0] : memref<2048x384xi32, #tpu.memory_space<vmem>>, vector<2048x384xi32>
    %bitcast_convert_type3A = tpu.bitcast %get3A_1 : vector<2048x384xi32> -> vector<2048x384xi32>
    %shift_left3A = arith.constant 16 : i32
    %shift_left3A_2 = vector.broadcast %shift_left3A : i32 to vector<2048x384xi32>
    %shift_left3A_3 = arith.shli %bitcast_convert_type3A, %shift_left3A_2 : vector<2048x384xi32>
    %bitcast_convert_type3A_4 = tpu.bitcast %shift_left3A_3 : vector<2048x384xi32> -> vector<2048x384xf32>
    %and3A = arith.constant -65536 : i32
    %and3A_5 = vector.broadcast %and3A : i32 to vector<2048x384xi32>
    %and3A_6 = arith.andi %bitcast_convert_type3A, %and3A_5 : vector<2048x384xi32>
    %bitcast_convert_type3A_7 = tpu.bitcast %and3A_6 : vector<2048x384xi32> -> vector<2048x384xf32>
    %concatenate3A = tpu.concatenate %bitcast_convert_type3A_4, %bitcast_convert_type3A_7 in 1 : vector<2048x384xf32>, vector<2048x384xf32> -> vector<2048x768xf32>
    %get3A_8 = arith.constant 0 : index
    %get3A_9 = arith.constant 0 : index
    %get3A_10 = vector.load %arg2[%get3A_8, %get3A_9] : memref<2048x384xi32, #tpu.memory_space<vmem>>, vector<2048x384xi32>
    %bitcast_convert_type3A_11 = tpu.bitcast %get3A_10 : vector<2048x384xi32> -> vector<2048x384xi32>
    %shift_left3A_12 = arith.constant 16 : i32
    %shift_left3A_13 = vector.broadcast %shift_left3A_12 : i32 to vector<2048x384xi32>
    %shift_left3A_14 = arith.shli %bitcast_convert_type3A_11, %shift_left3A_13 : vector<2048x384xi32>
    %bitcast_convert_type3A_15 = tpu.bitcast %shift_left3A_14 : vector<2048x384xi32> -> vector<2048x384xf32>
    %and3A_16 = arith.constant -65536 : i32
    %and3A_17 = vector.broadcast %and3A_16 : i32 to vector<2048x384xi32>
    %and3A_18 = arith.andi %bitcast_convert_type3A_11, %and3A_17 : vector<2048x384xi32>
    %bitcast_convert_type3A_19 = tpu.bitcast %and3A_18 : vector<2048x384xi32> -> vector<2048x384xf32>
    %concatenate3A_20 = tpu.concatenate %bitcast_convert_type3A_15, %bitcast_convert_type3A_19 in 1 : vector<2048x384xf32>, vector<2048x384xf32> -> vector<2048x768xf32>
    %mul3A = arith.mulf %concatenate3A, %concatenate3A_20 : vector<2048x768xf32>
    %swap3A = arith.constant 0 : index
    %swap3A_21 = arith.constant 0 : index
    %swap3A_22 = vector.load %arg3[%swap3A, %swap3A_21] : memref<2048x768xf32, #tpu.memory_space<vmem>>, vector<2048x768xf32>
    tpu.vector_store %arg3[%swap3A, %swap3A_21], %mul3A {strides = array<i32>} : memref<2048x768xf32, #tpu.memory_space<vmem>>, vector<2048x768xf32>,
    return
  }
  func.func @transform_0(%arg0: i32) -> (i32, i32) {
    %c0_i32 = arith.constant 0 : i32
    %c0_i32_0 = arith.constant 0 : i32
    return %arg0, %c0_i32 : i32, i32
  }
  func.func @transform_1(%arg0: i32) -> (i32, i32) {
    %c0_i32 = arith.constant 0 : i32
    %c0_i32_0 = arith.constant 0 : i32
    return %arg0, %c0_i32 : i32, i32
  }
  func.func @transform_2(%arg0: i32) -> (i32, i32) {
    %c0_i32 = arith.constant 0 : i32
    %c0_i32_0 = arith.constant 0 : i32
    return %arg0, %c0_i32 : i32, i32
  }
}

module attributes {stable_mosaic.version = 14 : i64} {
  func.func @_mix_route_body(%arg0: i32, %arg1: i32, %arg2: memref<1x1024x768xf32, #tpu.memory_space<vmem>>, %arg3: memref<1x1x768xf32, #tpu.memory_space<vmem>>, %arg4: memref<1x768xf32, #tpu.memory_space<vmem>>, %arg5: memref<1x768xf32, #tpu.memory_space<vmem>>, %arg6: memref<768x768xf32, #tpu.memory_space<vmem>>, %arg7: memref<1x1x1024xi32, #tpu.memory_space<vmem>>, %arg8: memref<1024x384xi32, #tpu.memory_space<vmem>>, %arg9: memref<1024x384xi32, #tpu.memory_space<vmem>>, %arg10: memref<8x128xi32, #tpu.memory_space<vmem>>, %arg11: memref<64x1xi32, #tpu.memory_space<vmem>>, %arg12: memref<1x768xf32, #tpu.memory_space<vmem>>) attributes {dimension_semantics = [#tpu.dimension_semantics<arbitrary>, #tpu.dimension_semantics<arbitrary>], iteration_bounds = array<i64: 4, 2>, scalar_prefetch = 0 : i64, scratch_operands = 2 : i64, tpu.core_type = #tpu.core_type<tc>, window_params = [{transform_indices = @transform_0, window_bounds = array<i64: 1, 1024, 768>}, {transform_indices = @transform_1, window_bounds = array<i64: 1, 1, 768>}, {pipeline_mode = #tpu.pipeline_mode<synchronous>, transform_indices = @transform_2, window_bounds = array<i64: 1, 768>}, {pipeline_mode = #tpu.pipeline_mode<synchronous>, transform_indices = @transform_3, window_bounds = array<i64: 1, 768>}, {pipeline_mode = #tpu.pipeline_mode<synchronous>, transform_indices = @transform_4, window_bounds = array<i64: 768, 768>}, {transform_indices = @transform_5, window_bounds = array<i64: 1, 1, 1024>}, {transform_indices = @transform_6, window_bounds = array<i64: 1024, 384>}, {transform_indices = @transform_7, window_bounds = array<i64: 1024, 384>}, {transform_indices = @transform_8, window_bounds = array<i64: 8, 128>}]} {
    %eq3A = arith.constant 0 : i32
    %eq3A_0 = arith.cmpi eq, %arg0, %eq3A : i32
    %eq3A_1 = arith.constant 0 : i32
    %eq3A_2 = arith.cmpi eq, %arg1, %eq3A_1 : i32
    %and3A = arith.andi %eq3A_0, %eq3A_2 : i1
    %convert_element_type3A = arith.extui %and3A : i1 to i32
    %cond3A = arith.constant 0 : i32
    %cond3A_3 = arith.cmpi ne, %convert_element_type3A, %cond3A : i32
    scf.if %cond3A_3 {
      %broadcast_in_dim3A_187 = arith.constant 0 : i32
      %broadcast_in_dim3A_188 = vector.broadcast %broadcast_in_dim3A_187 : i32 to vector<64x1xi32>
      %swap3A_189 = arith.constant 0 : index
      %swap3A_190 = arith.constant 0 : index
      %swap3A_191 = vector.load %arg11[%swap3A_189, %swap3A_190] : memref<64x1xi32, #tpu.memory_space<vmem>>, vector<64x1xi32>
      tpu.vector_store %arg11[%swap3A_189, %swap3A_190], %broadcast_in_dim3A_188 {strides = array<i32>} : memref<64x1xi32, #tpu.memory_space<vmem>>, vector<64x1xi32>,
    } else {
    }
    %get3A = arith.constant 0 : index
    %get3A_4 = arith.constant 0 : index
    %get3A_5 = arith.constant 0 : index
    %get3A_6 = vector.load %arg2[%get3A, %get3A_4, %get3A_5] : memref<1x1024x768xf32, #tpu.memory_space<vmem>>, vector<1x1024x768xf32>
    %get3A_7 = vector.shape_cast %get3A_6 : vector<1x1024x768xf32> to vector<1024x768xf32>
    %eq3A_8 = arith.constant 0 : i32
    %eq3A_9 = arith.cmpi eq, %arg1, %eq3A_8 : i32
    %get3A_10 = arith.constant 0 : index
    %get3A_11 = arith.constant 0 : index
    %get3A_12 = arith.constant 0 : index
    %get3A_13 = vector.load %arg3[%get3A_10, %get3A_11, %get3A_12] : memref<1x1x768xf32, #tpu.memory_space<vmem>>, vector<1x1x768xf32>
    %get3A_14 = vector.shape_cast %get3A_13 : vector<1x1x768xf32> to vector<1x768xf32>
    %get3A_15 = arith.constant 0 : index
    %get3A_16 = arith.constant 0 : index
    %get3A_17 = vector.load %arg12[%get3A_15, %get3A_16] : memref<1x768xf32, #tpu.memory_space<vmem>>, vector<1x768xf32>
    %select_n3A = arith.select %eq3A_9, %get3A_14, %get3A_17 : vector<1x768xf32>
    %slice3A = vector.extract_strided_slice %get3A_7 {offsets = [1023, 0], sizes = [1, 768], strides = [1, 1]} : vector<1024x768xf32> to vector<1x768xf32>
    %swap3A = arith.constant 0 : index
    %swap3A_18 = arith.constant 0 : index
    %swap3A_19 = vector.load %arg12[%swap3A, %swap3A_18] : memref<1x768xf32, #tpu.memory_space<vmem>>, vector<1x768xf32>
    tpu.vector_store %arg12[%swap3A, %swap3A_18], %slice3A {strides = array<i32>} : memref<1x768xf32, #tpu.memory_space<vmem>>, vector<1x768xf32>,
    %slice3A_20 = vector.extract_strided_slice %get3A_7 {offsets = [0, 0], sizes = [1023, 768], strides = [1, 1]} : vector<1024x768xf32> to vector<1023x768xf32>
    %concatenate3A = tpu.concatenate %select_n3A, %slice3A_20 in 0 : vector<1x768xf32>, vector<1023x768xf32> -> vector<1024x768xf32>
    %sub3A = arith.subf %concatenate3A, %get3A_7 : vector<1024x768xf32>
    %get3A_21 = arith.constant 0 : index
    %get3A_22 = arith.constant 0 : index
    %get3A_23 = vector.load %arg4[%get3A_21, %get3A_22] : memref<1x768xf32, #tpu.memory_space<vmem>>, vector<1x768xf32>
    %mul3A = vector.broadcast %get3A_23 : vector<1x768xf32> to vector<1024x768xf32>
    %mul3A_24 = arith.mulf %sub3A, %mul3A : vector<1024x768xf32>
    %add3A = arith.addf %get3A_7, %mul3A_24 : vector<1024x768xf32>
    %bitcast_convert_type3A = tpu.bitcast %add3A : vector<1024x768xf32> -> vector<1024x768xi32>
    %slice3A_25 = vector.extract_strided_slice %bitcast_convert_type3A {offsets = [0, 0], sizes = [1024, 384], strides = [1, 1]} : vector<1024x768xi32> to vector<1024x384xi32>
    %add3A_26 = arith.constant 32768 : i32
    %add3A_27 = vector.broadcast %add3A_26 : i32 to vector<1024x384xi32>
    %add3A_28 = arith.addi %slice3A_25, %add3A_27 : vector<1024x384xi32>
    %shift_right_logical3A = arith.constant 16 : i32
    %shift_right_logical3A_29 = vector.broadcast %shift_right_logical3A : i32 to vector<1024x384xi32>
    %shift_right_logical3A_30 = arith.shrui %add3A_28, %shift_right_logical3A_29 : vector<1024x384xi32>
    %slice3A_31 = vector.extract_strided_slice %bitcast_convert_type3A {offsets = [0, 384], sizes = [1024, 384], strides = [1, 1]} : vector<1024x768xi32> to vector<1024x384xi32>
    %add3A_32 = arith.constant 32768 : i32
    %add3A_33 = vector.broadcast %add3A_32 : i32 to vector<1024x384xi32>
    %add3A_34 = arith.addi %slice3A_31, %add3A_33 : vector<1024x384xi32>
    %and3A_35 = arith.constant -65536 : i32
    %and3A_36 = vector.broadcast %and3A_35 : i32 to vector<1024x384xi32>
    %and3A_37 = arith.andi %add3A_34, %and3A_36 : vector<1024x384xi32>
    %or3A = arith.ori %shift_right_logical3A_30, %and3A_37 : vector<1024x384xi32>
    %bitcast_convert_type3A_38 = tpu.bitcast %or3A : vector<1024x384xi32> -> vector<1024x384xi32>
    %swap3A_39 = arith.constant 0 : index
    %swap3A_40 = arith.constant 0 : index
    %swap3A_41 = vector.load %arg8[%swap3A_39, %swap3A_40] : memref<1024x384xi32, #tpu.memory_space<vmem>>, vector<1024x384xi32>
    tpu.vector_store %arg8[%swap3A_39, %swap3A_40], %bitcast_convert_type3A_38 {strides = array<i32>} : memref<1024x384xi32, #tpu.memory_space<vmem>>, vector<1024x384xi32>,
    %get3A_42 = arith.constant 0 : index
    %get3A_43 = arith.constant 0 : index
    %get3A_44 = vector.load %arg5[%get3A_42, %get3A_43] : memref<1x768xf32, #tpu.memory_space<vmem>>, vector<1x768xf32>
    %mul3A_45 = vector.broadcast %get3A_44 : vector<1x768xf32> to vector<1024x768xf32>
    %mul3A_46 = arith.mulf %sub3A, %mul3A_45 : vector<1024x768xf32>
    %add3A_47 = arith.addf %get3A_7, %mul3A_46 : vector<1024x768xf32>
    %convert_element_type3A_48 = arith.truncf %add3A_47 : vector<1024x768xf32> to vector<1024x768xbf16>
    %get3A_49 = arith.constant 0 : index
    %get3A_50 = arith.constant 0 : index
    %get3A_51 = vector.load %arg6[%get3A_49, %get3A_50] : memref<768x768xf32, #tpu.memory_space<vmem>>, vector<768x768xf32>
    %convert_element_type3A_52 = arith.truncf %get3A_51 : vector<768x768xf32> to vector<768x768xbf16>
    %dot_general3A = arith.constant dense<0.000000e+00> : vector<1024x768xf32>
    %dot_general3A_53 = tpu.matmul %convert_element_type3A_48, %convert_element_type3A_52, %dot_general3A {dimension_numbers = #tpu.dot_dimension_numbers<[1], [1], [0], [0], [0, 0, 1, 0], [], []>, transpose_lhs_hint = false} : vector<1024x768xbf16>, vector<768x768xbf16>, vector<1024x768xf32> -> vector<1024x768xf32>
    %logistic3A = arith.negf %dot_general3A_53 : vector<1024x768xf32>
    %logistic3A_54 = math.exp %logistic3A : vector<1024x768xf32>
    %logistic3A_55 = arith.constant 1.000000e+00 : f32
    %logistic3A_56 = vector.broadcast %logistic3A_55 : f32 to vector<1024x768xf32>
    %logistic3A_57 = arith.addf %logistic3A_56, %logistic3A_54 : vector<1024x768xf32>
    %logistic3A_58 = arith.divf %logistic3A_56, %logistic3A_57 : vector<1024x768xf32>
    %bitcast_convert_type3A_59 = tpu.bitcast %logistic3A_58 : vector<1024x768xf32> -> vector<1024x768xi32>
    %slice3A_60 = vector.extract_strided_slice %bitcast_convert_type3A_59 {offsets = [0, 0], sizes = [1024, 384], strides = [1, 1]} : vector<1024x768xi32> to vector<1024x384xi32>
    %add3A_61 = arith.constant 32768 : i32
    %add3A_62 = vector.broadcast %add3A_61 : i32 to vector<1024x384xi32>
    %add3A_63 = arith.addi %slice3A_60, %add3A_62 : vector<1024x384xi32>
    %shift_right_logical3A_64 = arith.constant 16 : i32
    %shift_right_logical3A_65 = vector.broadcast %shift_right_logical3A_64 : i32 to vector<1024x384xi32>
    %shift_right_logical3A_66 = arith.shrui %add3A_63, %shift_right_logical3A_65 : vector<1024x384xi32>
    %slice3A_67 = vector.extract_strided_slice %bitcast_convert_type3A_59 {offsets = [0, 384], sizes = [1024, 384], strides = [1, 1]} : vector<1024x768xi32> to vector<1024x384xi32>
    %add3A_68 = arith.constant 32768 : i32
    %add3A_69 = vector.broadcast %add3A_68 : i32 to vector<1024x384xi32>
    %add3A_70 = arith.addi %slice3A_67, %add3A_69 : vector<1024x384xi32>
    %and3A_71 = arith.constant -65536 : i32
    %and3A_72 = vector.broadcast %and3A_71 : i32 to vector<1024x384xi32>
    %and3A_73 = arith.andi %add3A_70, %and3A_72 : vector<1024x384xi32>
    %or3A_74 = arith.ori %shift_right_logical3A_66, %and3A_73 : vector<1024x384xi32>
    %bitcast_convert_type3A_75 = tpu.bitcast %or3A_74 : vector<1024x384xi32> -> vector<1024x384xi32>
    %swap3A_76 = arith.constant 0 : index
    %swap3A_77 = arith.constant 0 : index
    %swap3A_78 = vector.load %arg9[%swap3A_76, %swap3A_77] : memref<1024x384xi32, #tpu.memory_space<vmem>>, vector<1024x384xi32>
    tpu.vector_store %arg9[%swap3A_76, %swap3A_77], %bitcast_convert_type3A_75 {strides = array<i32>} : memref<1024x384xi32, #tpu.memory_space<vmem>>, vector<1024x384xi32>,
    %get3A_79 = arith.constant 0 : index
    %get3A_80 = arith.constant 0 : index
    %get3A_81 = arith.constant 0 : index
    %get3A_82 = vector.load %arg7[%get3A_79, %get3A_80, %get3A_81] : memref<1x1x1024xi32, #tpu.memory_space<vmem>>, vector<1x1x1024xi32>
    %get3A_83 = vector.shape_cast %get3A_82 : vector<1x1x1024xi32> to vector<1x1024xi32>
    %mul3A_84 = arith.constant 5099 : i32
    %mul3A_85 = vector.broadcast %mul3A_84 : i32 to vector<1x1024xi32>
    %mul3A_86 = arith.muli %get3A_83, %mul3A_85 : vector<1x1024xi32>
    %jit3A = arith.constant 64 : i32
    %eq3A_87 = arith.constant 0 : i32
    %eq3A_88 = arith.cmpi eq, %jit3A, %eq3A_87 : i32
    %jit3A_89 = arith.constant 1 : i32
    %select_n3A_90 = arith.select %eq3A_88, %jit3A_89, %jit3A : i32
    %rem3A = vector.broadcast %select_n3A_90 : i32 to vector<1x1024xi32>
    %rem3A_91 = arith.remsi %mul3A_86, %rem3A : vector<1x1024xi32>
    %ne3A = arith.constant 0 : i32
    %ne3A_92 = vector.broadcast %ne3A : i32 to vector<1x1024xi32>
    %ne3A_93 = arith.cmpi ne, %rem3A_91, %ne3A_92 : vector<1x1024xi32>
    %lt3A = arith.constant 0 : i32
    %lt3A_94 = vector.broadcast %lt3A : i32 to vector<1x1024xi32>
    %lt3A_95 = arith.cmpi slt, %rem3A_91, %lt3A_94 : vector<1x1024xi32>
    %lt3A_96 = arith.constant 0 : i32
    %lt3A_97 = arith.cmpi slt, %select_n3A_90, %lt3A_96 : i32
    %ne3A_98 = vector.broadcast %lt3A_97 : i1 to vector<1x1024xi1>
    %ne3A_99 = vector.broadcast %ne3A_98 : vector<1x1024xi1> to vector<1x1024xi1>
    %ne3A_100 = arith.xori %lt3A_95, %ne3A_99 : vector<1x1024xi1>
    %and3A_101 = arith.andi %ne3A_100, %ne3A_93 : vector<1x1024xi1>
    %add3A_102 = vector.broadcast %select_n3A_90 : i32 to vector<1x1024xi32>
    %add3A_103 = arith.addi %rem3A_91, %add3A_102 : vector<1x1024xi32>
    %select_n3A_104 = arith.select %and3A_101, %add3A_103, %rem3A_91 : vector<1x1024xi1>, vector<1x1024xi32>
    %iota3A = tpu.iota {dimensions = array<i32: 0>} : vector<64x1024xi32>
    %eq3A_105 = vector.broadcast %select_n3A_104 : vector<1x1024xi32> to vector<64x1024xi32>
    %eq3A_106 = arith.cmpi eq, %iota3A, %eq3A_105 : vector<64x1024xi32>
    %convert_element_type3A_107 = arith.extui %eq3A_106 : vector<64x1024xi1> to vector<64x1024xi32>
    %broadcast_in_dim3A = arith.constant 0 : i32
    %broadcast_in_dim3A_108 = vector.broadcast %broadcast_in_dim3A : i32 to vector<64x1xi32>
    %slice3A_109 = vector.extract_strided_slice %convert_element_type3A_107 {offsets = [0, 0], sizes = [64, 1023], strides = [1, 1]} : vector<64x1024xi32> to vector<64x1023xi32>
    %concatenate3A_110 = tpu.concatenate %broadcast_in_dim3A_108, %slice3A_109 in 1 : vector<64x1xi32>, vector<64x1023xi32> -> vector<64x1024xi32>
    %add3A_111 = arith.addi %convert_element_type3A_107, %concatenate3A_110 : vector<64x1024xi32>
    %broadcast_in_dim3A_112 = arith.constant 0 : i32
    %broadcast_in_dim3A_113 = vector.broadcast %broadcast_in_dim3A_112 : i32 to vector<64x2xi32>
    %slice3A_114 = vector.extract_strided_slice %add3A_111 {offsets = [0, 0], sizes = [64, 1022], strides = [1, 1]} : vector<64x1024xi32> to vector<64x1022xi32>
    %concatenate3A_115 = tpu.concatenate %broadcast_in_dim3A_113, %slice3A_114 in 1 : vector<64x2xi32>, vector<64x1022xi32> -> vector<64x1024xi32>
    %add3A_116 = arith.addi %add3A_111, %concatenate3A_115 : vector<64x1024xi32>
    %broadcast_in_dim3A_117 = arith.constant 0 : i32
    %broadcast_in_dim3A_118 = vector.broadcast %broadcast_in_dim3A_117 : i32 to vector<64x4xi32>
    %slice3A_119 = vector.extract_strided_slice %add3A_116 {offsets = [0, 0], sizes = [64, 1020], strides = [1, 1]} : vector<64x1024xi32> to vector<64x1020xi32>
    %concatenate3A_120 = tpu.concatenate %broadcast_in_dim3A_118, %slice3A_119 in 1 : vector<64x4xi32>, vector<64x1020xi32> -> vector<64x1024xi32>
    %add3A_121 = arith.addi %add3A_116, %concatenate3A_120 : vector<64x1024xi32>
    %broadcast_in_dim3A_122 = arith.constant 0 : i32
    %broadcast_in_dim3A_123 = vector.broadcast %broadcast_in_dim3A_122 : i32 to vector<64x8xi32>
    %slice3A_124 = vector.extract_strided_slice %add3A_121 {offsets = [0, 0], sizes = [64, 1016], strides = [1, 1]} : vector<64x1024xi32> to vector<64x1016xi32>
    %concatenate3A_125 = tpu.concatenate %broadcast_in_dim3A_123, %slice3A_124 in 1 : vector<64x8xi32>, vector<64x1016xi32> -> vector<64x1024xi32>
    %add3A_126 = arith.addi %add3A_121, %concatenate3A_125 : vector<64x1024xi32>
    %broadcast_in_dim3A_127 = arith.constant 0 : i32
    %broadcast_in_dim3A_128 = vector.broadcast %broadcast_in_dim3A_127 : i32 to vector<64x16xi32>
    %slice3A_129 = vector.extract_strided_slice %add3A_126 {offsets = [0, 0], sizes = [64, 1008], strides = [1, 1]} : vector<64x1024xi32> to vector<64x1008xi32>
    %concatenate3A_130 = tpu.concatenate %broadcast_in_dim3A_128, %slice3A_129 in 1 : vector<64x16xi32>, vector<64x1008xi32> -> vector<64x1024xi32>
    %add3A_131 = arith.addi %add3A_126, %concatenate3A_130 : vector<64x1024xi32>
    %broadcast_in_dim3A_132 = arith.constant 0 : i32
    %broadcast_in_dim3A_133 = vector.broadcast %broadcast_in_dim3A_132 : i32 to vector<64x32xi32>
    %slice3A_134 = vector.extract_strided_slice %add3A_131 {offsets = [0, 0], sizes = [64, 992], strides = [1, 1]} : vector<64x1024xi32> to vector<64x992xi32>
    %concatenate3A_135 = tpu.concatenate %broadcast_in_dim3A_133, %slice3A_134 in 1 : vector<64x32xi32>, vector<64x992xi32> -> vector<64x1024xi32>
    %add3A_136 = arith.addi %add3A_131, %concatenate3A_135 : vector<64x1024xi32>
    %broadcast_in_dim3A_137 = arith.constant 0 : i32
    %broadcast_in_dim3A_138 = vector.broadcast %broadcast_in_dim3A_137 : i32 to vector<64x64xi32>
    %slice3A_139 = vector.extract_strided_slice %add3A_136 {offsets = [0, 0], sizes = [64, 960], strides = [1, 1]} : vector<64x1024xi32> to vector<64x960xi32>
    %concatenate3A_140 = tpu.concatenate %broadcast_in_dim3A_138, %slice3A_139 in 1 : vector<64x64xi32>, vector<64x960xi32> -> vector<64x1024xi32>
    %add3A_141 = arith.addi %add3A_136, %concatenate3A_140 : vector<64x1024xi32>
    %broadcast_in_dim3A_142 = arith.constant 0 : i32
    %broadcast_in_dim3A_143 = vector.broadcast %broadcast_in_dim3A_142 : i32 to vector<64x128xi32>
    %slice3A_144 = vector.extract_strided_slice %add3A_141 {offsets = [0, 0], sizes = [64, 896], strides = [1, 1]} : vector<64x1024xi32> to vector<64x896xi32>
    %concatenate3A_145 = tpu.concatenate %broadcast_in_dim3A_143, %slice3A_144 in 1 : vector<64x128xi32>, vector<64x896xi32> -> vector<64x1024xi32>
    %add3A_146 = arith.addi %add3A_141, %concatenate3A_145 : vector<64x1024xi32>
    %broadcast_in_dim3A_147 = arith.constant 0 : i32
    %broadcast_in_dim3A_148 = vector.broadcast %broadcast_in_dim3A_147 : i32 to vector<64x256xi32>
    %slice3A_149 = vector.extract_strided_slice %add3A_146 {offsets = [0, 0], sizes = [64, 768], strides = [1, 1]} : vector<64x1024xi32> to vector<64x768xi32>
    %concatenate3A_150 = tpu.concatenate %broadcast_in_dim3A_148, %slice3A_149 in 1 : vector<64x256xi32>, vector<64x768xi32> -> vector<64x1024xi32>
    %add3A_151 = arith.addi %add3A_146, %concatenate3A_150 : vector<64x1024xi32>
    %broadcast_in_dim3A_152 = arith.constant 0 : i32
    %broadcast_in_dim3A_153 = vector.broadcast %broadcast_in_dim3A_152 : i32 to vector<64x512xi32>
    %slice3A_154 = vector.extract_strided_slice %add3A_151 {offsets = [0, 0], sizes = [64, 512], strides = [1, 1]} : vector<64x1024xi32> to vector<64x512xi32>
    %concatenate3A_155 = tpu.concatenate %broadcast_in_dim3A_153, %slice3A_154 in 1 : vector<64x512xi32>, vector<64x512xi32> -> vector<64x1024xi32>
    %add3A_156 = arith.addi %add3A_151, %concatenate3A_155 : vector<64x1024xi32>
    %get3A_157 = arith.constant 0 : index
    %get3A_158 = arith.constant 0 : index
    %get3A_159 = vector.load %arg11[%get3A_157, %get3A_158] : memref<64x1xi32, #tpu.memory_space<vmem>>, vector<64x1xi32>
    %add3A_160 = vector.broadcast %get3A_159 : vector<64x1xi32> to vector<64x1024xi32>
    %add3A_161 = arith.addi %add3A_156, %add3A_160 : vector<64x1024xi32>
    %slice3A_162 = vector.extract_strided_slice %add3A_161 {offsets = [0, 1023], sizes = [64, 1], strides = [1, 1]} : vector<64x1024xi32> to vector<64x1xi32>
    %swap3A_163 = arith.constant 0 : index
    %swap3A_164 = arith.constant 0 : index
    %swap3A_165 = vector.load %arg11[%swap3A_163, %swap3A_164] : memref<64x1xi32, #tpu.memory_space<vmem>>, vector<64x1xi32>
    tpu.vector_store %arg11[%swap3A_163, %swap3A_164], %slice3A_162 {strides = array<i32>} : memref<64x1xi32, #tpu.memory_space<vmem>>, vector<64x1xi32>,
    %mul3A_166 = arith.muli %add3A_161, %convert_element_type3A_107 : vector<64x1024xi32>
    %reduce_sum3A = arith.constant dense<0> : vector<1024xi32>
    %reduce_sum3A_167 = vector.multi_reduction <add>, %mul3A_166, %reduce_sum3A [0] : vector<64x1024xi32> to vector<1024xi32>
    %broadcast_in_dim3A_168 = vector.shape_cast %reduce_sum3A_167 : vector<1024xi32> to vector<1x1024xi32>
    %sub3A_169 = arith.constant 1 : i32
    %sub3A_170 = vector.broadcast %sub3A_169 : i32 to vector<1x1024xi32>
    %sub3A_171 = arith.subi %broadcast_in_dim3A_168, %sub3A_170 : vector<1x1024xi32>
    %lt3A_172 = arith.constant 128 : i32
    %lt3A_173 = vector.broadcast %lt3A_172 : i32 to vector<1x1024xi32>
    %lt3A_174 = arith.cmpi slt, %sub3A_171, %lt3A_173 : vector<1x1024xi32>
    %mul3A_175 = arith.constant 128 : i32
    %mul3A_176 = vector.broadcast %mul3A_175 : i32 to vector<1x1024xi32>
    %mul3A_177 = arith.muli %select_n3A_104, %mul3A_176 : vector<1x1024xi32>
    %min3A = arith.constant 127 : i32
    %min3A_178 = vector.broadcast %min3A : i32 to vector<1x1024xi32>
    %min3A_179 = arith.minsi %sub3A_171, %min3A_178 : vector<1x1024xi32>
    %add3A_180 = arith.addi %mul3A_177, %min3A_179 : vector<1x1024xi32>
    %jit3A_181 = arith.constant 8192 : i32
    %broadcast_in_dim3A_182 = vector.broadcast %jit3A_181 : i32 to vector<1x1024xi32>
    %select_n3A_183 = arith.select %lt3A_174, %add3A_180, %broadcast_in_dim3A_182 : vector<1x1024xi1>, vector<1x1024xi32>
    %reshape3A = vector.shape_cast %select_n3A_183 : vector<1x1024xi32> to vector<8x128xi32>
    %swap3A_184 = arith.constant 0 : index
    %swap3A_185 = arith.constant 0 : index
    %swap3A_186 = vector.load %arg10[%swap3A_184, %swap3A_185] : memref<8x128xi32, #tpu.memory_space<vmem>>, vector<8x128xi32>
    tpu.vector_store %arg10[%swap3A_184, %swap3A_185], %reshape3A {strides = array<i32>} : memref<8x128xi32, #tpu.memory_space<vmem>>, vector<8x128xi32>,
    return
  }
  func.func @transform_0(%arg0: i32, %arg1: i32) -> (i32, i32, i32) {
    %c0_i32 = arith.constant 0 : i32
    %c0_i32_0 = arith.constant 0 : i32
    return %arg0, %arg1, %c0_i32 : i32, i32, i32
  }
  func.func @transform_1(%arg0: i32, %arg1: i32) -> (i32, i32, i32) {
    %c0_i32 = arith.constant 0 : i32
    %c0_i32_0 = arith.constant 0 : i32
    %c0_i32_1 = arith.constant 0 : i32
    return %arg0, %c0_i32, %c0_i32_0 : i32, i32, i32
  }
  func.func @transform_2(%arg0: i32, %arg1: i32) -> (i32, i32) {
    %c0_i32 = arith.constant 0 : i32
    %c0_i32_0 = arith.constant 0 : i32
    %c0_i32_1 = arith.constant 0 : i32
    return %c0_i32, %c0_i32_0 : i32, i32
  }
  func.func @transform_3(%arg0: i32, %arg1: i32) -> (i32, i32) {
    %c0_i32 = arith.constant 0 : i32
    %c0_i32_0 = arith.constant 0 : i32
    %c0_i32_1 = arith.constant 0 : i32
    return %c0_i32, %c0_i32_0 : i32, i32
  }
  func.func @transform_4(%arg0: i32, %arg1: i32) -> (i32, i32) {
    %c0_i32 = arith.constant 0 : i32
    %c0_i32_0 = arith.constant 0 : i32
    %c0_i32_1 = arith.constant 0 : i32
    return %c0_i32, %c0_i32_0 : i32, i32
  }
  func.func @transform_5(%arg0: i32, %arg1: i32) -> (i32, i32, i32) {
    %c0_i32 = arith.constant 0 : i32
    %c0_i32_0 = arith.constant 0 : i32
    return %arg0, %c0_i32, %arg1 : i32, i32, i32
  }
  func.func @transform_6(%arg0: i32, %arg1: i32) -> (i32, i32) {
    %mul3A = arith.constant 2 : i32
    %mul3A_0 = arith.muli %arg0, %mul3A : i32
    %add3A = arith.addi %mul3A_0, %arg1 : i32
    %c0_i32 = arith.constant 0 : i32
    %c0_i32_1 = arith.constant 0 : i32
    return %add3A, %c0_i32 : i32, i32
  }
  func.func @transform_7(%arg0: i32, %arg1: i32) -> (i32, i32) {
    %mul3A = arith.constant 2 : i32
    %mul3A_0 = arith.muli %arg0, %mul3A : i32
    %add3A = arith.addi %mul3A_0, %arg1 : i32
    %c0_i32 = arith.constant 0 : i32
    %c0_i32_1 = arith.constant 0 : i32
    return %add3A, %c0_i32 : i32, i32
  }
  func.func @transform_8(%arg0: i32, %arg1: i32) -> (i32, i32) {
    %mul3A = arith.constant 2 : i32
    %mul3A_0 = arith.muli %arg0, %mul3A : i32
    %add3A = arith.addi %mul3A_0, %arg1 : i32
    %c0_i32 = arith.constant 0 : i32
    %c0_i32_1 = arith.constant 0 : i32
    return %add3A, %c0_i32 : i32, i32
  }
}

</mosaic_0001>

<sc_bundles>
// kernel: kernel.10.cloned.1.call-start
scs
__scs_entry_jumppad:
0x0: {  	(pc) =	sbr.rel $0x88, $3  }
0x1: {  	(tag) =	ssettag $0x0;
	lr =	simm.s32 $0x1  }
0x2: {  	[smem:$0x3F99] =	sst lr;
	_ =	strace $0xD0000000  }
0x3: {  	_ = 	snop  }
0x4: {  	_ = 	snop  }
0x5: {  	_ = 	snop  }
0x6: {  	_ = 	snop  }
0x7: {  	_ = 	snop  }
__scs_overlays_trampoline_lowered:
0x8: {  	[smem:$0x3FA8] =	sst s0  }
0x9: {  	[smem:$0x3FA9] =	sst s1  }
0xa: {  	[smem:$0x3FAA] =	sst s2  }
0xb: {  	[smem:$0x3FAB] =	sst s3  }
0xc: {  	[smem:$0x3FAC] =	sst s4  }
0xd: {  	[smem:$0x3FAD] =	sst s5  }
0xe: {  	[smem:$0x3FAE] =	sst s6  }
0xf: {  	[smem:$0x3FAF] =	sst s7  }
0x10: {  	[smem:$0x3FB0] =	sst s8  }
0x11: {  	[smem:$0x3FB1] =	sst s9;
	s0 =	simm.s32 @!p0 $0x0  }
0x12: {  	s1 =	sld [smem:$0x3F97];
	s0 =	simm.s32 @p0 $0x1  }
0x13: {  	[smem:$0x3FB2] =	sst s0;
	s0 =	simm.s32 @!p1 $0x0  }
0x14: {  	s2 =	sld [smem:$0x3F96];
	s0 =	simm.s32 @p1 $0x1  }
0x15: {  	[smem:$0x3FB3] =	sst s0;
	s0 =	simm.s32 @!p2 $0x0  }
0x16: {  	s3 =	sld [smem:$0x3FDB];
	s0 =	simm.s32 @p2 $0x1  }
0x17: {  	s4 =	simm.s32 $0x1BF5;
	[smem:$0x3FB5] =	sst s0  }
0x18: {  	s0 =	sld [smem:$0x3F98];
	_ =	swait.ge [sflag:s4], $0x0  }
0x19: {  	s7 =	sld [smem:$0x3F99]  }
0x1a: {  	s8 =	sadd.s32 $0xFFFFE003, lr  }
0x1b: {  	s9 =	sadd.s32 $0xFFFFFEF7, lr;
	s5 =	simm.s32 $0xFFFFFFFF;
	p2 =	slt.u32 s8, $0xFFFFF086  }
0x1c: {  	p1 =	slt.u32 s9, $0xF7A;
	s5 =	simm.s32 @!p2 $0x0  }
0x1d: {  	s5 =	simm.s32 @p1 $0x1;
	p0 =	seq.s32 s7, s2  }
0x1e: {  	s7 =	smul.u32 @!p0 $0xF7A, s2;
	p2 =	seq.s32 @!p0 s5, $0x0  }
0x1f: {  	s9 =	smul.u32 $0xF7A, s1;
	s8 =	simm.s32 @!p0 $0x1BF5;
	p2 =	por !p2, p0  }
0x20: {  	[sflag:s8] =	ssyncset.s32 @!p0 $0xFFFFF086;
	s6 =	sadd.s32 @!p0 s3, s7;
	s7 =	simm.s32 @!p0 $0x108  }
0x21: {  	s3 =	sadd.s32 s3, s9;
	s6 =	sadd.s32 @!p0 $0x88, s6;
	s7 =	simm.s32 @p2 $0x1082  }
0x22: {  	[simem:s7], [sflag:s8] =	dma.local @!p0 [hbm:s6], $0xF7A  }
0x23: {  	s9 =	sor.u32 $0xD0000000, s2;
	s6 =	simm.s32 $0x108;
	_ =	swait.ge @!p0 [sflag:s8], $0x0  }
0x24: {  	s3 =	sadd.s32 $0x88, s3;
	s6 =	simm.s32 @!p1 $0x1082;
	[sflag:s4] =	ssyncset.s32 $0xFFFFF086  }
0x25: {  	[simem:s6], [sflag:s4] =	dma.local [hbm:s3], $0xF7A  }
0x26: {  	[smem:$0x3F99] =	sst s1;
	(tag) =	ssettag s2;
	_ =	strace s9  }
0x27: {  	s1 =	sld [smem:$0x3FA9]  }
0x28: {  	s2 =	sld [smem:$0x3FAA]  }
0x29: {  	s4 =	sld [smem:$0x3FAC]  }
0x2a: {  	p0 =	seq.s32 s5, $0x0;
	s5 =	sld [smem:$0x3FAD]  }
0x2b: {  	s6 =	sld [smem:$0x3FAE]  }
0x2c: {  	s7 =	sld [smem:$0x3FAF]  }
0x2d: {  	s3 =	simm.s32 $0x108;
	s8 =	sld [smem:$0x3FB0]  }
0x2e: {  	s3 =	simm.s32 @!p0 $0x1082;
	s9 =	sld [smem:$0x3FB1]  }
0x2f: {  	lr =	sadd.s32 s0, s3;
	s0 =	sld [smem:$0x3FA8]  }
0x30: {  	s3 =	sld [smem:$0x3FAB]  }
0x31: {  	[smem:$0x3FB4] =	sst s10  }
0x32: {  	s10 =	sld [smem:$0x3FB2];
	_ =	sdelay $0x3  }
0x33: {  	p0 =	seq.s32 s10, $0x1;
	s10 =	sld [smem:$0x3FB4];
	_ =	sdelay $0x3  }
0x34: {  	[smem:$0x3FB4] =	sst s10  }
0x35: {  	s10 =	sld [smem:$0x3FB3];
	_ =	sdelay $0x3  }
0x36: {  	p1 =	seq.s32 s10, $0x1;
	s10 =	sld [smem:$0x3FB4];
	_ =	sdelay $0x3  }
0x37: {  	[smem:$0x3FB4] =	sst s10  }
0x38: {  	s10 =	sld [smem:$0x3FB5]  }
0x39: {  	_ = 	snop;
	(pc) =	sbr.ind lr, $3  }
0x3a: {  	_ = 	snop  }
0x3b: {  	_ = 	snop  }
0x3c: {  	p2 =	seq.s32 s10, $0x1;
	s10 =	sld [smem:$0x3FB4]  }
0x3d: {  	_ =	shalt  }
0x3e: {  	_ =	shalt  }
0x3f: {  	_ =	shalt  }
0x40: {  	_ =	shalt  }
0x41: {  	_ =	shalt  }
0x42: {  	_ =	shalt  }
0x43: {  	_ =	shalt  }
0x44: {  	_ =	shalt  }
0x45: {  	_ =	shalt  }
0x46: {  	_ =	shalt  }
0x47: {  	_ =	shalt  }
0x48: {  	_ =	shalt  }
0x49: {  	_ =	shalt  }
0x4a: {  	_ =	shalt  }
0x4b: {  	_ =	shalt  }
0x4c: {  	_ =	shalt  }
0x4d: {  	_ =	shalt  }
0x4e: {  	_ =	shalt  }
0x4f: {  	_ =	shalt  }
0x50: {  	_ =	shalt  }
0x51: {  	_ =	shalt  }
0x52: {  	_ =	shalt  }
0x53: {  	_ =	shalt  }
0x54: {  	_ =	shalt  }
0x55: {  	_ =	shalt  }
0x56: {  	_ =	shalt  }
0x57: {  	_ =	shalt  }
0x58: {  	_ =	shalt  }
0x59: {  	_ =	shalt  }
0x5a: {  	_ =	shalt  }
0x5b: {  	_ =	shalt  }
0x5c: {  	_ =	shalt  }
0x5d: {  	_ =	shalt  }
0x5e: {  	_ =	shalt  }
0x5f: {  	_ =	shalt  }
0x60: {  	_ =	shalt  }
0x61: {  	_ =	shalt  }
0x62: {  	_ =	shalt  }
0x63: {  	_ =	shalt  }
0x64: {  	_ =	shalt  }
0x65: {  	_ =	shalt  }
0x66: {  	_ =	shalt  }
0x67: {  	_ =	shalt  }
0x68: {  	_ =	shalt  }
0x69: {  	_ =	shalt  }
0x6a: {  	_ =	shalt  }
0x6b: {  	_ =	shalt  }
0x6c: {  	_ =	shalt  }
0x6d: {  	_ =	shalt  }
0x6e: {  	_ =	shalt  }
0x6f: {  	_ =	shalt  }
0x70: {  	_ =	shalt  }
0x71: {  	_ =	shalt  }
0x72: {  	_ =	shalt  }
0x73: {  	_ =	shalt  }
0x74: {  	_ =	shalt  }
0x75: {  	_ =	shalt  }
0x76: {  	_ =	shalt  }
0x77: {  	_ =	shalt  }
0x78: {  	_ =	shalt  }
0x79: {  	_ =	shalt  }
0x7a: {  	_ =	shalt  }
0x7b: {  	_ =	shalt  }
0x7c: {  	_ =	shalt  }
0x7d: {  	_ =	shalt  }
0x7e: {  	_ =	shalt  }
0x7f: {  	_ =	shalt  }
0x80: {  	_ =	shalt  }
0x81: {  	_ =	shalt  }
0x82: {  	_ =	shalt  }
0x83: {  	_ =	shalt  }
0x84: {  	_ =	shalt  }
0x85: {  	_ =	shalt  }
0x86: {  	_ =	shalt  }
0x87: {  	_ =	shalt  }
.Lfunc_end0:
.L_simem_size_0:
called_computation.1_lowered:
.L_overlay_start_0:
0x88: {  	s2 =	sld [smem:$0x3FD9]  }
0x89: {  	s3 =	sld [smem:$0x3FFE];
	_ =	sdelay $0x1  }
0x8a: {  	s1 =	srdreg.scid  }
0x8b: {  	s0 =	sand.u32 $0x1, s1  }
0x8c: {  	s14 =	sshll.u32 s0, $0xA;
	s2 =	sadd.s32 s3, s2  }
0x8d: {  	s2 =	sadd.s32 s2, s14  }
0x8e: {  	[smem:$0x3FC0] =	sst s2  }
0x8f: {  	_ = 	snop  }
0x90: {  	s2 =	sld [smem:$0x3FD0];
	_ =	sdelay $0x2  }
0x91: {  	s15 =	simm.s32 $0xA;
	s4 =	simm.s32 $0x10  }
0x92: {  	[smem:s4], [sflag:s15] =	dma.local [hbm:s2], $0x1  }
0x93: {  	_ =	swait.eq [sflag:s15], $0x1  }
0x94: {  	[sflag:s15] =	ssyncset.done $0x0  }
0x95: {  	[sflag:s15] =	ssyncadd.s32 $0xFFFFFFFF  }
0x96: {  	s16 =	sld [smem:$0x10];
	(tm) =	ssettm $0x1  }
0x97: {  	s17 =	sld [smem:$0x3FFB];
	_ =	sdelay $0x3  }
0x98: {  	_ =	strace s17  }
0x99: {  	s3 =	sld [smem:$0x3FFC];
	_ =	sdelay $0x3  }
0x9a: {  	_ =	strace s3  }
0x9b: {  	s3 =	sld [smem:$0x3FFD];
	_ =	sdelay $0x3  }
0x9c: {  	_ =	strace s3  }
0x9d: {  	_ =	strace $0x8FFFFFFF  }
0x9e: {  	s18 =	sld [smem:$0x3FDB];
	_ =	sdelay $0x1  }
0x9f: {  	s19 =	simm.s32 $_scs_section_size  }
0xa0: {  	s5 =	simm.s32 $_size__tile_overlayer_lowered;
	s6 =	simm.s32 $_tile_overlayer_lowered  }
0xa1: {  	s22 =	simm.s32 $0x1BFF;
	s21 =	sshll.u32 s6, $0x1;
	s3 =	sadd.s32 s19, s18  }
0xa2: {  	s7 =	simm.s32 $0x0;
	s20 =	sshll.u32 s5, $0x1;
	s5 =	sadd.s32 s21, s3  }
0xa3: {  	[timem:s7], [sflag:s22] =	dma.local [hbm:s5], s20  }
0xa4: {  	_ =	swait.ge [sflag:s22], s20  }
0xa5: {  	s4 =	ssub.s32 $0x0, s20;
	[sflag:s22] =	ssyncset.done $0x0  }
0xa6: {  	[sflag:s22] =	ssyncadd.s32 s4;
	_ =	sdelay $0x1  }
0xa7: {  	s23 =	simm.s32 $0x1B8B  }
0xa8: {  	_ =	swait.ge [sflag:s23], $0x1  }
0xa9: {  	[sflag:s23] =	ssyncset.done $0x0  }
0xaa: {  	s25 =	simm.s32 $0x1B8E;
	s24 =	sld [smem:$0x3FFE];
	[sflag:s23] =	ssyncadd.s32 $0xFFFFFFFF  }
0xab: {  	s26 =	simm.s32 $execute0_lowered;
	[smem:$0x3FD2] =	sst s25  }
0xac: {  	s5 =	sshll.u32 s26, $0x1;
	_ =	strace $0x80000049;
	[dreg:$0x1] =	wrdreg $0xFFFFFFFF  }
0xad: {  	s28 =	simm.s32 $_size_execute0_lowered;
	s3 =	sadd.s32 s3, s5;
	[dreg:$0x0] =	wrdreg $0x0  }
0xae: {  	s5 =	sshll.u32 s28, $0x1;
	[dreg:$0x2] =	wrdreg s3  }
0xaf: {  	[dreg:$0x3] =	wrdreg s5  }
0xb0: {  	[dreg:$0x4] =	wrdreg $0xC0  }
0xb1: {  	_ =	task [dreg:s7], $0x5FFFF  }
0xb2: {  	[dreg:$0x1] =	wrdreg $0xFFFFFFFF  }
0xb3: {  	[dreg:$0x0] =	wrdreg $0x60  }
0xb4: {  	[dreg:$0x2] =	wrdreg s16  }
0xb5: {  	[dreg:$0x3] =	wrdreg s24  }
0xb6: {  	[dreg:$0x4] =	wrdreg $0x9  }
0xb7: {  	_ =	task.clear_ibuf [dreg:s7], $0x5FFFF;
	_ =	strace $0x90000049  }
0xb8: {  	s29 =	simm.s32 $0x9;
	_ =	strace $0x8000004B  }
0xb9: {  	_ =	swait.ge [sflag:s29], $0x1  }
0xba: {  	[sflag:s29] =	ssyncadd.s32 $0xFFFFFFFF  }
0xbb: {  	_ =	strace $0x9000004B  }
0xbc: {  	_ =	sfence  }
0xbd: {  	s30 =	sld [smem:$0x0];
	_ =	sdelay $0x2  }
0xbe: {  	s31 =	sshll.u32 s1, $0xD;
	s1 =	sshrl.u32 s1, $0x2  }
0xbf: {  	s3 =	sand.u32 $0x4000, s31;
	s1 =	sadd.s32 s1, s30  }
0xc0: {  	s0 =	sor.u32 s3, s0;
	s1 =	sshll.u32 s1, $0x11  }
0xc1: {  	s0 =	sor.u32 s1, s0  }
0xc2: {  	s0 =	sadd.s32 $0x8F2B, s0  }
0xc3: {  	[sflag:s0] =	ssyncadd.remote.s32 $0x1  }
0xc4: {  	_ =	sfence.sel $0xFFFF  }
0xc5: {  	[dreg:$0x0] =	wrdreg $0xFFFFFFFF;
	(pc) =	sbr.abs _section_cstart, $3  }
0xc6: {  	[dreg:$0x1] =	wrdreg $0xFFFFFFFF  }
0xc7: {  	_ =	task.clear_ibuf [dreg:s7], $0x2FFFF;
	_ =	strace $0x9FFFFFFF  }
0xc8: {  	(tm) =	ssettm $0x7FFFFFFF  }
0xc9: {  	_ =	shalt  }
tec
execute0_lowered:
.L_overlay_start_1:
0x0: {  	(tag) =	ssettag $0x1  }
0x1: {  	s2 =	rddreg [dreg:$0x0]  }
0x2: {  	s4 =	rddreg [dreg:$0x1];
	s3 =	simm.s32 $0x0  }
0x3: {  	s8 =	simm.s32 $0x1500;
	[smem:$0x7FF] =	sst s3  }
0x4: {  	s9 =	simm.s32 $0x1900;
	_ =	strace $0x8000004A;
	[dreg:$0x8] =	wrdreg s8  }
0x5: {  	s10 =	simm.s32 $0x2100;
	[dreg:$0x9] =	wrdreg s9  }
0x6: {  	s11 =	simm.s32 $0x2500;
	[dreg:$0xa] =	wrdreg s10  }
0x7: {  	s12 =	simm.s32 $0x2D00;
	[dreg:$0xb] =	wrdreg s11  }
0x8: {  	s13 =	simm.s32 $0x3100;
	[dreg:$0xc] =	wrdreg s12  }
0x9: {  	s14 =	simm.s32 $0x3900;
	[dreg:$0xd] =	wrdreg s13  }
0xa: {  	s15 =	simm.s32 $0x3D00;
	[dreg:$0xe] =	wrdreg s14  }
0xb: {  	s16 =	simm.s32 $0x4500;
	[dreg:$0xf] =	wrdreg s15  }
0xc: {  	s17 =	simm.s32 $0x4900;
	[dreg:$0x10] =	wrdreg s16  }
0xd: {  	s18 =	simm.s32 $0x5100;
	[dreg:$0x11] =	wrdreg s17  }
0xe: {  	s19 =	simm.s32 $0x5500;
	[dreg:$0x12] =	wrdreg s18  }
0xf: {  	s20 =	simm.s32 $0x5D00;
	[dreg:$0x13] =	wrdreg s19  }
0x10: {  	s21 =	simm.s32 $0x6100;
	[dreg:$0x14] =	wrdreg s20  }
0x11: {  	s22 =	simm.s32 $0x6900;
	[dreg:$0x15] =	wrdreg s21  }
0x12: {  	s23 =	simm.s32 $0x6D00;
	[dreg:$0x16] =	wrdreg s22  }
0x13: {  	s24 =	simm.s32 $0x7500;
	[dreg:$0x17] =	wrdreg s23  }
0x14: {  	s25 =	simm.s32 $0x7900;
	[dreg:$0x18] =	wrdreg s24  }
0x15: {  	s0 =	stileid.u32;
	s26 =	simm.s32 $0x8100;
	[dreg:$0x19] =	wrdreg s25  }
0x16: {  	s5 =	sshll.u32 s0, $0x1;
	s0 =	simm.s32 $0x8500;
	[dreg:$0x1a] =	wrdreg s26  }
0x17: {  	[dreg:$0x1b] =	wrdreg s0;
	s8 =	simm.s32 $0x9D00  }
0x18: {  	s9 =	simm.s32 $0xA500;
	[dreg:$0x1f] =	wrdreg s8  }
0x19: {  	s10 =	simm.s32 $0xA900;
	[smem:$0x7ED] =	sst s9  }
0x1a: {  	s11 =	simm.s32 $0xB100;
	[smem:$0x7EE] =	sst s10  }
0x1b: {  	s12 =	simm.s32 $0xB500;
	[smem:$0x7EF] =	sst s11  }
0x1c: {  	s13 =	simm.s32 $0xBD00;
	[smem:$0x7F0] =	sst s12  }
0x1d: {  	s1 =	srdreg.scid;
	s14 =	simm.s32 $0xC900;
	[smem:$0x7F1] =	sst s13  }
0x1e: {  	s28 =	simm.s32 $0x17D00;
	s15 =	simm.s32 $0xCD00;
	[smem:$0x7F2] =	sst s14  }
0x1f: {  	s29 =	simm.s32 $0x1;
	s16 =	simm.s32 $0xD500;
	[smem:$0x7F3] =	sst s15  }
0x20: {  	s30 =	simm.s32 $0x2;
	s17 =	simm.s32 $0xD900;
	[smem:$0x7F4] =	sst s16  }
0x21: {  	s31 =	simm.s32 $0x3;
	s18 =	simm.s32 $0xE100;
	[smem:$0x7F5] =	sst s17  }
0x22: {  	s1 =	sand.u32 $0x1, s1;
	s20 =	simm.s32 $0xE500;
	[smem:$0x7F6] =	sst s18  }
0x23: {  	s5 =	sor.u32 s1, s5;
	s21 =	simm.s32 $0xED00;
	[smem:$0x7F7] =	sst s20  }
0x24: {  	s1 =	ssub.s32 $0x2, s1;
	s22 =	simm.s32 $0xF100;
	[smem:$0x7F8] =	sst s21  }
0x25: {  	s23 =	simm.s32 $0xF900;
	s24 =	simm.s32 $0xFD00;
	[smem:$0x7F9] =	sst s22  }
0x26: {  	s25 =	simm.s32 $0x10500;
	s26 =	simm.s32 $0x10900;
	[smem:$0x7FA] =	sst s23  }
0x27: {  	s6 =	sshll.u32 s5, $0x5;
	s7 =	smul.u32 $0x18000, s5;
	[smem:$0x7FB] =	sst s24  }
0x28: {  	s5 =	smul.u32 $0x3000, s5;
	s19 =	sshrl.u32 s1, $0x1;
	[smem:$0x7FC] =	sst s25  }
0x29: {  	s8 =	simm.s32 $0xC100;
	[smem:$0x7FD] =	sst s26;
	s10 =	simm.s32 $0x11500  }
0x2a: {  	s11 =	simm.s32 $0x11D00;
	s12 =	simm.s32 $0x12100;
	s13 =	simm.s32 $0x12900  }
0x2b: {  	s14 =	simm.s32 $0x12D00;
	s15 =	simm.s32 $0x13500;
	s16 =	simm.s32 $0x13900  }
0x2c: {  	s17 =	simm.s32 $0x14100;
	s18 =	simm.s32 $0x14500;
	s20 =	simm.s32 $0x15100  }
0x2d: {  	s21 =	simm.s32 $0x15900;
	s22 =	simm.s32 $0x15D00;
	s6 =	sadd.s32 s6, s4  }
0x2e: {  	s23 =	simm.s32 $0x16500;
	s4 =	sadd.s32 $0x62200, s4;
	s6 =	sadd.s32 $0xC2200, s6  }
0x2f: {  	s24 =	simm.s32 $0x16900;
	s5 =	sadd.s32 s4, s5;
	[dreg:$0x3] =	wrdreg s6  }
0x30: {  	s7 =	sshrl.u32 s7, $0x3;
	[dreg:$0x4] =	wrdreg s5;
	s6 =	simm.s32 $0x900  }
0x31: {  	s4 =	sadd.s32 s4, s7;
	s7 =	simm.s32 $0xD00;
	[dreg:$0x6] =	wrdreg s6  }
0x32: {  	s25 =	simm.s32 $0x17100;
	s5 =	simm.s32 $0x8D00;
	[dreg:$0x7] =	wrdreg s7  }
0x33: {  	s26 =	simm.s32 $0x17500;
	s4 =	sadd.s32 $0x1800, s4;
	[dreg:$0x1c] =	wrdreg s5  }
0x34: {  	s1 =	ssub.s32 s1, s19;
	s6 =	simm.s32 $0x9100;
	[dreg:$0x5] =	wrdreg s4  }
0x35: {  	v2 =	vlaneseq.u32;
	s19 =	simm.s32 $0x14D00;
	s7 =	simm.s32 $0x9900;
	[dreg:$0x1d] =	wrdreg s6  }
0x36: {  	vm0 =	vmmov $0xffff;
	vm1 =	vmmov $0xff;
	v1 =	vshrl.u32 v2, $0x3;
	s5 =	smax.u32 s1, $0x1;
	s1 =	simm.s32 $0x4;
	[dreg:$0x1e] =	wrdreg s7  }
0x37: {  	v0 =	vand.u32 $0x7, v2;
	v2 =	vor.u32 $0x8, v2;
	v1 =	vmul.u32 $0x8, v1;
	s4 =	sadd.s32 $0x100, s2;
	s6 =	simm.s32 $0x5;
	s7 =	simm.s32 $0x100  }
.LBB2_1:
0x38: {  	s0 =	rddreg [dreg:$0x3]  }
0x39: {  	[tilespmem:s3], [sflag:$0x5] =	stream.linear.gather [hbm4b:s0+s3], $0x100, $0x38;
	[tilespmem:$0x18100] =	vst v63  }
0x3a: {  	_ =	swait.ge [sflag:s6], $0x100  }
0x3b: {  	[sflag:s6] =	ssyncset.done $0x0  }
0x3c: {  	[sflag:s6] =	ssyncadd.s32 $0xFFFFFF00  }
0x3d: {  	v3 =	vld [tilespmem:$0x0];
	_ =	sdelay $0x4  }
0x3e: {  	v4 =	vshrl.u32 v3, $0x3  }
0x3f: {  	v4 =	vmul.u32 $0x18, v4  }
0x40: {  	v3 =	vand.u32 $0x7, v3  }
0x41: {  	v3 =	vor.u32 v3, v4  }
0x42: {  	v4 =	vperm.xlane v3, v0;
	_ =	sdelay $0x1  }
0x43: {  	v4 =	vadd.s32 v1, v4;
	_ =	sdelay $0x1  }
0x44: {  	v3 =	vperm.xlane v3, v2;
	_ =	sdelay $0x1  }
0x45: {  	v3 =	vadd.s32 v1, v3  }
0x46: {  	[tilespmem:s7], [sflag:$0x1] =	stream.indirect_vreg.gather [hbm4b:s2+s3], $0x80, v4, vm0, $0xb8;
	[tilespmem:$0x18100] =	vst v63  }
0x47: {  	s0 =	rddreg [dreg:$0x6]  }
0x48: {  	[tilespmem:s0], [sflag:$0x1] =	stream.indirect_vreg.gather [hbm4b:s4+s3], $0x80, v4, vm1, $0xb8;
	[tilespmem:$0x18100] =	vst v63  }
0x49: {  	s9 =	rddreg [dreg:$0x7]  }
0x4a: {  	[tilespmem:s9], [sflag:$0x1] =	stream.indirect_vreg.gather [hbm4b:s2+s3], $0x80, v3, vm0, $0xb8;
	[tilespmem:$0x18100] =	vst v63  }
0x4b: {  	s0 =	rddreg [dreg:$0x8]  }
0x4c: {  	[tilespmem:s0], [sflag:$0x1] =	stream.indirect_vreg.gather [hbm4b:s4+s3], $0x80, v3, vm1, $0xb8;
	[tilespmem:$0x18100] =	vst v63  }
0x4d: {  	v3 =	vld [tilespmem:$0x10];
	_ =	sdelay $0x4  }
0x4e: {  	v49 =	vshrl.u32 v3, $0x3  }
0x4f: {  	v4 =	vmul.u32 $0x18, v49  }
0x50: {  	v3 =	vand.u32 $0x7, v3  }
0x51: {  	v3 =	vor.u32 v3, v4  }
0x52: {  	v4 =	vperm.xlane v3, v0;
	_ =	sdelay $0x1  }
0x53: {  	v4 =	vadd.s32 v1, v4;
	_ =	sdelay $0x1  }
0x54: {  	v3 =	vperm.xlane v3, v2;
	_ =	sdelay $0x1  }
0x55: {  	s0 =	rddreg [dreg:$0x9];
	v3 =	vadd.s32 v1, v3  }
0x56: {  	[tilespmem:s0], [sflag:$0x1] =	stream.indirect_vreg.gather [hbm4b:s2+s3], $0x80, v4, vm0, $0xb8;
	[tilespmem:$0x18100] =	vst v63  }
0x57: {  	s9 =	rddreg [dreg:$0xa]  }
0x58: {  	[tilespmem:s9], [sflag:$0x1] =	stream.indirect_vreg.gather [hbm4b:s4+s3], $0x80, v4, vm1, $0xb8;
	[tilespmem:$0x18100] =	vst v63  }
0x59: {  	s0 =	rddreg [dreg:$0xb]  }
0x5a: {  	[tilespmem:s0], [sflag:$0x1] =	stream.indirect_vreg.gather [hbm4b:s2+s3], $0x80, v3, vm0, $0xb8;
	[tilespmem:$0x18100] =	vst v63  }
0x5b: {  	s9 =	rddreg [dreg:$0xc]  }
0x5c: {  	[tilespmem:s9], [sflag:$0x1] =	stream.indirect_vreg.gather [hbm4b:s4+s3], $0x80, v3, vm1, $0xb8;
	[tilespmem:$0x18100] =	vst v63  }
0x5d: {  	v3 =	vld [tilespmem:$0x20];
	_ =	sdelay $0x4  }
0x5e: {  	v50 =	vshrl.u32 v3, $0x3  }
0x5f: {  	v4 =	vmul.u32 $0x18, v50  }
0x60: {  	v3 =	vand.u32 $0x7, v3  }
0x61: {  	v3 =	vor.u32 v3, v4  }
0x62: {  	v4 =	vperm.xlane v3, v0;
	_ =	sdelay $0x1  }
0x63: {  	v4 =	vadd.s32 v1, v4;
	_ =	sdelay $0x1  }
0x64: {  	v3 =	vperm.xlane v3, v2;
	_ =	sdelay $0x1  }
0x65: {  	s0 =	rddreg [dreg:$0xd];
	v3 =	vadd.s32 v1, v3  }
0x66: {  	[tilespmem:s0], [sflag:$0x1] =	stream.indirect_vreg.gather [hbm4b:s2+s3], $0x80, v4, vm0, $0xb8;
	[tilespmem:$0x18100] =	vst v63  }
0x67: {  	s9 =	rddreg [dreg:$0xe]  }
0x68: {  	[tilespmem:s9], [sflag:$0x1] =	stream.indirect_vreg.gather [hbm4b:s4+s3], $0x80, v4, vm1, $0xb8;
	[tilespmem:$0x18100] =	vst v63  }
0x69: {  	s0 =	rddreg [dreg:$0xf]  }
0x6a: {  	[tilespmem:s0], [sflag:$0x1] =	stream.indirect_vreg.gather [hbm4b:s2+s3], $0x80, v3, vm0, $0xb8;
	[tilespmem:$0x18100] =	vst v63  }
0x6b: {  	s9 =	rddreg [dreg:$0x10]  }
0x6c: {  	[tilespmem:s9], [sflag:$0x1] =	stream.indirect_vreg.gather [hbm4b:s4+s3], $0x80, v3, vm1, $0xb8;
	[tilespmem:$0x18100] =	vst v63  }
0x6d: {  	v3 =	vld [tilespmem:$0x30];
	_ =	sdelay $0x4  }
0x6e: {  	v51 =	vshrl.u32 v3, $0x3  }
0x6f: {  	v4 =	vmul.u32 $0x18, v51  }
0x70: {  	v3 =	vand.u32 $0x7, v3  }
0x71: {  	v3 =	vor.u32 v3, v4  }
0x72: {  	v4 =	vperm.xlane v3, v0;
	_ =	sdelay $0x1  }
0x73: {  	v4 =	vadd.s32 v1, v4;
	_ =	sdelay $0x1  }
0x74: {  	v3 =	vperm.xlane v3, v2;
	_ =	sdelay $0x1  }
0x75: {  	s0 =	rddreg [dreg:$0x11];
	v3 =	vadd.s32 v1, v3  }
0x76: {  	[tilespmem:s0], [sflag:$0x1] =	stream.indirect_vreg.gather [hbm4b:s2+s3], $0x80, v4, vm0, $0xb8;
	[tilespmem:$0x18100] =	vst v63  }
0x77: {  	s9 =	rddreg [dreg:$0x12]  }
0x78: {  	[tilespmem:s9], [sflag:$0x1] =	stream.indirect_vreg.gather [hbm4b:s4+s3], $0x80, v4, vm1, $0xb8;
	[tilespmem:$0x18100] =	vst v63  }
0x79: {  	s0 =	rddreg [dreg:$0x13]  }
0x7a: {  	[tilespmem:s0], [sflag:$0x1] =	stream.indirect_vreg.gather [hbm4b:s2+s3], $0x80, v3, vm0, $0xb8;
	[tilespmem:$0x18100] =	vst v63  }
0x7b: {  	s9 =	rddreg [dreg:$0x14]  }
0x7c: {  	[tilespmem:s9], [sflag:$0x1] =	stream.indirect_vreg.gather [hbm4b:s4+s3], $0x80, v3, vm1, $0xb8;
	[tilespmem:$0x18100] =	vst v63  }
0x7d: {  	v3 =	vld [tilespmem:$0x40];
	_ =	sdelay $0x4  }
0x7e: {  	v52 =	vshrl.u32 v3, $0x3  }
0x7f: {  	v4 =	vmul.u32 $0x18, v52  }
0x80: {  	v3 =	vand.u32 $0x7, v3  }
0x81: {  	v3 =	vor.u32 v3, v4  }
0x82: {  	v4 =	vperm.xlane v3, v0;
	_ =	sdelay $0x1  }
0x83: {  	v4 =	vadd.s32 v1, v4;
	_ =	sdelay $0x1  }
0x84: {  	v3 =	vperm.xlane v3, v2;
	_ =	sdelay $0x1  }
0x85: {  	s0 =	rddreg [dreg:$0x15];
	v3 =	vadd.s32 v1, v3  }
0x86: {  	[tilespmem:s0], [sflag:$0x1] =	stream.indirect_vreg.gather [hbm4b:s2+s3], $0x80, v4, vm0, $0xb8;
	[tilespmem:$0x18100] =	vst v63  }
0x87: {  	s9 =	rddreg [dreg:$0x16]  }
0x88: {  	[tilespmem:s9], [sflag:$0x1] =	stream.indirect_vreg.gather [hbm4b:s4+s3], $0x80, v4, vm1, $0xb8;
	[tilespmem:$0x18100] =	vst v63  }
0x89: {  	s0 =	rddreg [dreg:$0x17]  }
0x8a: {  	[tilespmem:s0], [sflag:$0x1] =	stream.indirect_vreg.gather [hbm4b:s2+s3], $0x80, v3, vm0, $0xb8;
	[tilespmem:$0x18100] =	vst v63  }
0x8b: {  	s9 =	rddreg [dreg:$0x18]  }
0x8c: {  	[tilespmem:s9], [sflag:$0x1] =	stream.indirect_vreg.gather [hbm4b:s4+s3], $0x80, v3, vm1, $0xb8;
	[tilespmem:$0x18100] =	vst v63  }
0x8d: {  	v3 =	vld [tilespmem:$0x50];
	_ =	sdelay $0x4  }
0x8e: {  	v53 =	vshrl.u32 v3, $0x3  }
0x8f: {  	v4 =	vmul.u32 $0x18, v53  }
0x90: {  	v3 =	vand.u32 $0x7, v3  }
0x91: {  	v3 =	vor.u32 v3, v4  }
0x92: {  	v4 =	vperm.xlane v3, v0;
	_ =	sdelay $0x1  }
0x93: {  	v4 =	vadd.s32 v1, v4;
	_ =	sdelay $0x1  }
0x94: {  	v3 =	vperm.xlane v3, v2;
	_ =	sdelay $0x1  }
0x95: {  	s0 =	rddreg [dreg:$0x19];
	v3 =	vadd.s32 v1, v3  }
0x96: {  	[tilespmem:s0], [sflag:$0x1] =	stream.indirect_vreg.gather [hbm4b:s2+s3], $0x80, v4, vm0, $0xb8;
	[tilespmem:$0x18100] =	vst v63  }
0x97: {  	s9 =	rddreg [dreg:$0x1a]  }
0x98: {  	[tilespmem:s9], [sflag:$0x1] =	stream.indirect_vreg.gather [hbm4b:s4+s3], $0x80, v4, vm1, $0xb8;
	[tilespmem:$0x18100] =	vst v63  }
0x99: {  	s0 =	rddreg [dreg:$0x1b]  }
0x9a: {  	[tilespmem:s0], [sflag:$0x1] =	stream.indirect_vreg.gather [hbm4b:s2+s3], $0x80, v3, vm0, $0xb8;
	[tilespmem:$0x18100] =	vst v63  }
0x9b: {  	s9 =	rddreg [dreg:$0x1c]  }
0x9c: {  	[tilespmem:s9], [sflag:$0x1] =	stream.indirect_vreg.gather [hbm4b:s4+s3], $0x80, v3, vm1, $0xb8;
	[tilespmem:$0x18100] =	vst v63  }
0x9d: {  	v3 =	vld [tilespmem:$0x60];
	_ =	sdelay $0x4  }
0x9e: {  	v54 =	vshrl.u32 v3, $0x3  }
0x9f: {  	v4 =	vmul.u32 $0x18, v54  }
0xa0: {  	v3 =	vand.u32 $0x7, v3  }
0xa1: {  	v3 =	vor.u32 v3, v4  }
0xa2: {  	v4 =	vperm.xlane v3, v0;
	_ =	sdelay $0x1  }
0xa3: {  	v4 =	vadd.s32 v1, v4;
	_ =	sdelay $0x1  }
0xa4: {  	v3 =	vperm.xlane v3, v2  }
0xa5: {  	s0 =	rddreg [dreg:$0x1d]  }
0xa6: {  	s9 =	rddreg [dreg:$0x1e];
	v3 =	vadd.s32 v1, v3  }
0xa7: {  	[tilespmem:s0], [sflag:$0x1] =	stream.indirect_vreg.gather [hbm4b:s2+s3], $0x80, v4, vm0, $0xb8;
	[tilespmem:$0x18100] =	vst v63  }
0xa8: {  	s0 =	rddreg [dreg:$0x1f]  }
0xa9: {  	[tilespmem:s9], [sflag:$0x1] =	stream.indirect_vreg.gather [hbm4b:s4+s3], $0x80, v4, vm1, $0xb8;
	[tilespmem:$0x18100] =	vst v63  }
0xaa: {  	s9 =	sld [smem:$0x7ED]  }
0xab: {  	[tilespmem:s0], [sflag:$0x1] =	stream.indirect_vreg.gather [hbm4b:s2+s3], $0x80, v3, vm0, $0xb8;
	[tilespmem:$0x18100] =	vst v63  }
0xac: {  	_ = 	snop  }
0xad: {  	[tilespmem:s9], [sflag:$0x1] =	stream.indirect_vreg.gather [hbm4b:s4+s3], $0x80, v3, vm1, $0xb8;
	[tilespmem:$0x18100] =	vst v63  }
0xae: {  	v3 =	vld [tilespmem:$0x70];
	_ =	sdelay $0x4  }
0xaf: {  	v55 =	vshrl.u32 v3, $0x3  }
0xb0: {  	v4 =	vmul.u32 $0x18, v55  }
0xb1: {  	v3 =	vand.u32 $0x7, v3  }
0xb2: {  	v3 =	vor.u32 v3, v4  }
0xb3: {  	v4 =	vperm.xlane v3, v0;
	_ =	sdelay $0x1  }
0xb4: {  	v4 =	vadd.s32 v1, v4;
	_ =	sdelay $0x1  }
0xb5: {  	s0 =	sld [smem:$0x7EE];
	v3 =	vperm.xlane v3, v2;
	_ =	sdelay $0x1  }
0xb6: {  	s9 =	sld [smem:$0x7EF];
	v3 =	vadd.s32 v1, v3  }
0xb7: {  	[tilespmem:s0], [sflag:$0x1] =	stream.indirect_vreg.gather [hbm4b:s2+s3], $0x80, v4, vm0, $0xb8;
	[tilespmem:$0x18100] =	vst v63  }
0xb8: {  	s0 =	sld [smem:$0x7F0]  }
0xb9: {  	[tilespmem:s9], [sflag:$0x1] =	stream.indirect_vreg.gather [hbm4b:s4+s3], $0x80, v4, vm1, $0xb8;
	[tilespmem:$0x18100] =	vst v63  }
0xba: {  	s9 =	sld [smem:$0x7F1]  }
0xbb: {  	[tilespmem:s0], [sflag:$0x1] =	stream.indirect_vreg.gather [hbm4b:s2+s3], $0x80, v3, vm0, $0xb8;
	[tilespmem:$0x18100] =	vst v63  }
0xbc: {  	_ = 	snop  }
0xbd: {  	[tilespmem:s9], [sflag:$0x1] =	stream.indirect_vreg.gather [hbm4b:s4+s3], $0x80, v3, vm1, $0xb8;
	[tilespmem:$0x18100] =	vst v63  }
0xbe: {  	v3 =	vld [tilespmem:$0x80];
	_ =	sdelay $0x4  }
0xbf: {  	v56 =	vshrl.u32 v3, $0x3  }
0xc0: {  	v4 =	vmul.u32 $0x18, v56  }
0xc1: {  	v3 =	vand.u32 $0x7, v3  }
0xc2: {  	v3 =	vor.u32 v3, v4  }
0xc3: {  	v4 =	vperm.xlane v3, v0;
	_ =	sdelay $0x1  }
0xc4: {  	v4 =	vadd.s32 v1, v4;
	_ =	sdelay $0x1  }
0xc5: {  	v3 =	vperm.xlane v3, v2;
	_ =	sdelay $0x1  }
0xc6: {  	s0 =	sld [smem:$0x7F2];
	v3 =	vadd.s32 v1, v3  }
0xc7: {  	[tilespmem:s8], [sflag:$0x2] =	stream.indirect_vreg.gather [hbm4b:s2+s3], $0x80, v4, vm0, $0xb8;
	[tilespmem:$0x18100] =	vst v63  }
0xc8: {  	s9 =	sld [smem:$0x7F3]  }
0xc9: {  	[tilespmem:s0], [sflag:$0x2] =	stream.indirect_vreg.gather [hbm4b:s4+s3], $0x80, v4, vm1, $0xb8;
	[tilespmem:$0x18100] =	vst v63  }
0xca: {  	s0 =	sld [smem:$0x7F4]  }
0xcb: {  	[tilespmem:s9], [sflag:$0x2] =	stream.indirect_vreg.gather [hbm4b:s2+s3], $0x80, v3, vm0, $0xb8;
	[tilespmem:$0x18100] =	vst v63  }
0xcc: {  	_ = 	snop  }
0xcd: {  	[tilespmem:s0], [sflag:$0x2] =	stream.indirect_vreg.gather [hbm4b:s4+s3], $0x80, v3, vm1, $0xb8;
	[tilespmem:$0x18100] =	vst v63  }
0xce: {  	v3 =	vld [tilespmem:$0x90];
	_ =	sdelay $0x4  }
0xcf: {  	v57 =	vshrl.u32 v3, $0x3  }
0xd0: {  	v4 =	vmul.u32 $0x18, v57  }
0xd1: {  	v3 =	vand.u32 $0x7, v3  }
0xd2: {  	v3 =	vor.u32 v3, v4  }
0xd3: {  	v4 =	vperm.xlane v3, v0;
	_ =	sdelay $0x1  }
0xd4: {  	v4 =	vadd.s32 v1, v4;
	_ =	sdelay $0x1  }
0xd5: {  	s0 =	sld [smem:$0x7F5];
	v3 =	vperm.xlane v3, v2;
	_ =	sdelay $0x1  }
0xd6: {  	s9 =	sld [smem:$0x7F6];
	v3 =	vadd.s32 v1, v3  }
0xd7: {  	[tilespmem:s0], [sflag:$0x2] =	stream.indirect_vreg.gather [hbm4b:s2+s3], $0x80, v4, vm0, $0xb8;
	[tilespmem:$0x18100] =	vst v63  }
0xd8: {  	s0 =	sld [smem:$0x7F7]  }
0xd9: {  	[tilespmem:s9], [sflag:$0x2] =	stream.indirect_vreg.gather [hbm4b:s4+s3], $0x80, v4, vm1, $0xb8;
	[tilespmem:$0x18100] =	vst v63  }
0xda: {  	s9 =	sld [smem:$0x7F8]  }
0xdb: {  	[tilespmem:s0], [sflag:$0x2] =	stream.indirect_vreg.gather [hbm4b:s2+s3], $0x80, v3, vm0, $0xb8;
	[tilespmem:$0x18100] =	vst v63  }
0xdc: {  	_ = 	snop  }
0xdd: {  	[tilespmem:s9], [sflag:$0x2] =	stream.indirect_vreg.gather [hbm4b:s4+s3], $0x80, v3, vm1, $0xb8;
	[tilespmem:$0x18100] =	vst v63  }
0xde: {  	v3 =	vld [tilespmem:$0xA0];
	_ =	sdelay $0x4  }
0xdf: {  	v58 =	vshrl.u32 v3, $0x3  }
0xe0: {  	v4 =	vmul.u32 $0x18, v58  }
0xe1: {  	v3 =	vand.u32 $0x7, v3  }
0xe2: {  	v3 =	vor.u32 v3, v4  }
0xe3: {  	v4 =	vperm.xlane v3, v0;
	_ =	sdelay $0x1  }
0xe4: {  	v4 =	vadd.s32 v1, v4;
	_ =	sdelay $0x1  }
0xe5: {  	s0 =	sld [smem:$0x7F9];
	v3 =	vperm.xlane v3, v2;
	_ =	sdelay $0x1  }
0xe6: {  	s9 =	sld [smem:$0x7FA];
	v3 =	vadd.s32 v1, v3  }
0xe7: {  	[tilespmem:s0], [sflag:$0x2] =	stream.indirect_vreg.gather [hbm4b:s2+s3], $0x80, v4, vm0, $0xb8;
	[tilespmem:$0x18100] =	vst v63  }
0xe8: {  	s0 =	sld [smem:$0x7FB]  }
0xe9: {  	[tilespmem:s9], [sflag:$0x2] =	stream.indirect_vreg.gather [hbm4b:s4+s3], $0x80, v4, vm1, $0xb8;
	[tilespmem:$0x18100] =	vst v63  }
0xea: {  	s9 =	sld [smem:$0x7FC]  }
0xeb: {  	[tilespmem:s0], [sflag:$0x2] =	stream.indirect_vreg.gather [hbm4b:s2+s3], $0x80, v3, vm0, $0xb8;
	[tilespmem:$0x18100] =	vst v63  }
0xec: {  	_ = 	snop  }
0xed: {  	[tilespmem:s9], [sflag:$0x2] =	stream.indirect_vreg.gather [hbm4b:s4+s3], $0x80, v3, vm1, $0xb8;
	[tilespmem:$0x18100] =	vst v63  }
0xee: {  	v3 =	vld [tilespmem:$0xB0];
	_ =	sdelay $0x4  }
0xef: {  	v59 =	vshrl.u32 v3, $0x3  }
0xf0: {  	v4 =	vmul.u32 $0x18, v59  }
0xf1: {  	v3 =	vand.u32 $0x7, v3  }
0xf2: {  	v3 =	vor.u32 v3, v4  }
0xf3: {  	v4 =	vperm.xlane v3, v0;
	_ =	sdelay $0x1  }
0xf4: {  	v4 =	vadd.s32 v1, v4;
	_ =	sdelay $0x1  }
0xf5: {  	s9 =	sld [smem:$0x7FD];
	v3 =	vperm.xlane v3, v2;
	_ =	sdelay $0x1  }
0xf6: {  	v3 =	vadd.s32 v1, v3  }
0xf7: {  	[tilespmem:s9], [sflag:$0x2] =	stream.indirect_vreg.gather [hbm4b:s2+s3], $0x80, v4, vm0, $0xb8;
	[tilespmem:$0x18100] =	vst v63  }
0xf8: {  	s9 =	simm.s32 $0x11100  }
0xf9: {  	[tilespmem:s9], [sflag:$0x2] =	stream.indirect_vreg.gather [hbm4b:s4+s3], $0x80, v4, vm1, $0xb8;
	[tilespmem:$0x18100] =	vst v63  }
0xfa: {  	_ = 	snop  }
0xfb: {  	[tilespmem:s10], [sflag:$0x2] =	stream.indirect_vreg.gather [hbm4b:s2+s3], $0x80, v3, vm0, $0xb8;
	[tilespmem:$0x18100] =	vst v63  }
0xfc: {  	_ = 	snop  }
0xfd: {  	[tilespmem:s11], [sflag:$0x2] =	stream.indirect_vreg.gather [hbm4b:s4+s3], $0x80, v3, vm1, $0xb8;
	[tilespmem:$0x18100] =	vst v63  }
0xfe: {  	v3 =	vld [tilespmem:$0xC0];
	_ =	sdelay $0x4  }
0xff: {  	v60 =	vshrl.u32 v3, $0x3  }
0x100: {  	v4 =	vmul.u32 $0x18, v60  }
0x101: {  	v3 =	vand.u32 $0x7, v3  }
0x102: {  	v3 =	vor.u32 v3, v4  }
0x103: {  	v4 =	vperm.xlane v3, v0;
	_ =	sdelay $0x1  }
0x104: {  	v4 =	vadd.s32 v1, v4;
	_ =	sdelay $0x1  }
0x105: {  	v3 =	vperm.xlane v3, v2;
	_ =	sdelay $0x1  }
0x106: {  	v3 =	vadd.s32 v1, v3  }
0x107: {  	[tilespmem:s12], [sflag:$0x2] =	stream.indirect_vreg.gather [hbm4b:s2+s3], $0x80, v4, vm0, $0xb8;
	[tilespmem:$0x18100] =	vst v63  }
0x108: {  	_ = 	snop  }
0x109: {  	[tilespmem:s13], [sflag:$0x2] =	stream.indirect_vreg.gather [hbm4b:s4+s3], $0x80, v4, vm1, $0xb8;
	[tilespmem:$0x18100] =	vst v63  }
0x10a: {  	_ = 	snop  }
0x10b: {  	[tilespmem:s14], [sflag:$0x2] =	stream.indirect_vreg.gather [hbm4b:s2+s3], $0x80, v3, vm0, $0xb8;
	[tilespmem:$0x18100] =	vst v63  }
0x10c: {  	_ = 	snop  }
0x10d: {  	[tilespmem:s15], [sflag:$0x2] =	stream.indirect_vreg.gather [hbm4b:s4+s3], $0x80, v3, vm1, $0xb8;
	[tilespmem:$0x18100] =	vst v63  }
0x10e: {  	v3 =	vld [tilespmem:$0xD0];
	_ =	sdelay $0x4  }
0x10f: {  	v61 =	vshrl.u32 v3, $0x3  }
0x110: {  	v4 =	vmul.u32 $0x18, v61  }
0x111: {  	v3 =	vand.u32 $0x7, v3  }
0x112: {  	v3 =	vor.u32 v3, v4  }
0x113: {  	v4 =	vperm.xlane v3, v0;
	_ =	sdelay $0x1  }
0x114: {  	v4 =	vadd.s32 v1, v4;
	_ =	sdelay $0x1  }
0x115: {  	v3 =	vperm.xlane v3, v2;
	_ =	sdelay $0x1  }
0x116: {  	v3 =	vadd.s32 v1, v3  }
0x117: {  	[tilespmem:s16], [sflag:$0x2] =	stream.indirect_vreg.gather [hbm4b:s2+s3], $0x80, v4, vm0, $0xb8;
	[tilespmem:$0x18100] =	vst v63  }
0x118: {  	_ = 	snop  }
0x119: {  	[tilespmem:s17], [sflag:$0x2] =	stream.indirect_vreg.gather [hbm4b:s4+s3], $0x80, v4, vm1, $0xb8;
	[tilespmem:$0x18100] =	vst v63  }
0x11a: {  	_ = 	snop  }
0x11b: {  	[tilespmem:s18], [sflag:$0x2] =	stream.indirect_vreg.gather [hbm4b:s2+s3], $0x80, v3, vm0, $0xb8;
	[tilespmem:$0x18100] =	vst v63  }
0x11c: {  	_ = 	snop  }
0x11d: {  	[tilespmem:s19], [sflag:$0x2] =	stream.indirect_vreg.gather [hbm4b:s4+s3], $0x80, v3, vm1, $0xb8;
	[tilespmem:$0x18100] =	vst v63  }
0x11e: {  	v3 =	vld [tilespmem:$0xE0];
	_ =	sdelay $0x4  }
0x11f: {  	v62 =	vshrl.u32 v3, $0x3  }
0x120: {  	v4 =	vmul.u32 $0x18, v62  }
0x121: {  	v3 =	vand.u32 $0x7, v3  }
0x122: {  	v3 =	vor.u32 v3, v4  }
0x123: {  	v4 =	vperm.xlane v3, v0;
	_ =	sdelay $0x1  }
0x124: {  	v4 =	vadd.s32 v1, v4;
	_ =	sdelay $0x1  }
0x125: {  	v3 =	vperm.xlane v3, v2;
	_ =	sdelay $0x1  }
0x126: {  	v3 =	vadd.s32 v1, v3  }
0x127: {  	[tilespmem:s20], [sflag:$0x2] =	stream.indirect_vreg.gather [hbm4b:s2+s3], $0x80, v4, vm0, $0xb8;
	[tilespmem:$0x18100] =	vst v63  }
0x128: {  	_ = 	snop  }
0x129: {  	[tilespmem:s21], [sflag:$0x2] =	stream.indirect_vreg.gather [hbm4b:s4+s3], $0x80, v4, vm1, $0xb8;
	[tilespmem:$0x18100] =	vst v63  }
0x12a: {  	_ = 	snop  }
0x12b: {  	[tilespmem:s22], [sflag:$0x2] =	stream.indirect_vreg.gather [hbm4b:s2+s3], $0x80, v3, vm0, $0xb8;
	[tilespmem:$0x18100] =	vst v63  }
0x12c: {  	_ = 	snop  }
0x12d: {  	[tilespmem:s23], [sflag:$0x2] =	stream.indirect_vreg.gather [hbm4b:s4+s3], $0x80, v3, vm1, $0xb8;
	[tilespmem:$0x18100] =	vst v63  }
0x12e: {  	v3 =	vld [tilespmem:$0xF0];
	_ =	sdelay $0x4  }
0x12f: {  	v63 =	vshrl.u32 v3, $0x3  }
0x130: {  	v4 =	vmul.u32 $0x18, v63  }
0x131: {  	v3 =	vand.u32 $0x7, v3  }
0x132: {  	v3 =	vor.u32 v3, v4  }
0x133: {  	v4 =	vperm.xlane v3, v0;
	_ =	sdelay $0x1  }
0x134: {  	v4 =	vadd.s32 v1, v4;
	_ =	sdelay $0x1  }
0x135: {  	v3 =	vperm.xlane v3, v2;
	_ =	sdelay $0x1  }
0x136: {  	v3 =	vadd.s32 v1, v3  }
0x137: {  	[tilespmem:s24], [sflag:$0x2] =	stream.indirect_vreg.gather [hbm4b:s2+s3], $0x80, v4, vm0, $0xb8;
	[tilespmem:$0x18100] =	vst v63  }
0x138: {  	_ = 	snop  }
0x139: {  	[tilespmem:s25], [sflag:$0x2] =	stream.indirect_vreg.gather [hbm4b:s4+s3], $0x80, v4, vm1, $0xb8;
	[tilespmem:$0x18100] =	vst v63  }
0x13a: {  	_ = 	snop  }
0x13b: {  	[tilespmem:s26], [sflag:$0x2] =	stream.indirect_vreg.gather [hbm4b:s2+s3], $0x80, v3, vm0, $0xb8;
	[tilespmem:$0x18100] =	vst v63  }
0x13c: {  	_ = 	snop  }
0x13d: {  	[tilespmem:s28], [sflag:$0x2] =	stream.indirect_vreg.gather [hbm4b:s4+s3], $0x80, v3, vm1, $0xb8;
	[tilespmem:$0x18100] =	vst v63  }
0x13e: {  	_ =	swait.ge [sflag:s29], $0xC000  }
0x13f: {  	[sflag:s29] =	ssyncset.done $0x0  }
0x140: {  	s9 =	rddreg [dreg:$0x4];
	[sflag:s29] =	ssyncadd.s32 $0xFFFF4000  }
0x141: {  	[hbm4b:s9+s3] =	stream.linear.scatter [tilespmem:s7], [sflag:$0x3], $0xC000, $0x38;
	[tilespmem:$0x18100] =	vst v63  }
0x142: {  	_ =	swait.ge [sflag:s30], $0xC000  }
0x143: {  	[sflag:s30] =	ssyncset.done $0x0  }
0x144: {  	s9 =	rddreg [dreg:$0x5];
	[sflag:s30] =	ssyncadd.s32 $0xFFFF4000  }
0x145: {  	[hbm4b:s9+s3] =	stream.linear.scatter [tilespmem:s8], [sflag:$0x4], $0xC000, $0x38;
	[tilespmem:$0x18100] =	vst v63  }
0x146: {  	p0 =	sne.s32 s5, $0x1;
	_ =	swait.ge [sflag:s31], $0xC000  }
.Ltmp0:
0x147: {  	[sflag:s31] =	ssyncset.done $0x0;
	(pc) =	sbr.rel @p0 .LBB2_1-.Ltmp0, $4  }
0x148: {  	[sflag:s31] =	ssyncadd.s32 $0xFFFF4000  }
0x149: {  	_ =	swait.ge [sflag:s1], $0xC000  }
0x14a: {  	[sflag:s1] =	ssyncset.done $0x0  }
0x14b: {  	s5 =	sadd.s32 $0xFFFFFFFF, s5;
	[sflag:s1] =	ssyncadd.s32 $0xFFFF4000  }
0x14c: {  	_ =	sfence.sel $0x180000  }
0x14d: {  	[bflag:$0x0] =	sbarrier.arrive $0xFFFF  }
0x14e: {  	_ =	strace $0x9000004A  }
0x14f: {  	s0 =	stileid.u32;
	[bflag:$0x2] =	sbarrier.arrive $0xFFFF  }
0x150: {  	p0 =	sne.s32 s0, $0x0;
	s0 =	rddreg [dreg:$0x2]  }
0x151: {  	s0 =	sadd.s32 @!p0 $0x100000, s0  }
0x152: {  	[sflag:s0] =	ssyncadd.tile.s32 @!p0 $0x1;
	_ =	shalt  }
.Lfunc_end2:
_tile_overlayer_lowered:
.L_overlay_start_2:
0x153: {  	(tag) =	ssettag $0x2  }
0x154: {  	s0 =	rddreg [dreg:$0x0];
	s2 =	stileid.u32  }
0x155: {  	s1 =	rddreg [dreg:$0x1];
	p0 =	sne.s32 s2, $0x0  }
0x156: {  	s3 =	rddreg [dreg:$0x2];
	[bflag:$0x3] =	sbarrier.arrive $0xFFFF;
	s2 =	simm.s32 @!p0 $0x1C05  }
0x157: {  	[timem:s3], [sflag:s2] =	dma.local @!p0 [hbm:s0], s1  }
0x158: {  	s0 =	simm.s32 @!p0 $0x5  }
0x159: {  	_ =	swait.ge @!p0 [sflag:s0], s1  }
0x15a: {  	s1 =	ssub.s32 @!p0 $0x0, s1;
	[sflag:s0] =	ssyncset.done @!p0 $0x0  }
0x15b: {  	[sflag:s0] =	ssyncadd.s32 @!p0 s1  }
0x15c: {  	[bflag:$0x3] =	sbarrier.arrive $0xFFFF  }
0x15d: {  	_ =	shalt  }

// kernel: kernel.7.cloned.1.call-start
scs
__scs_entry_jumppad:
0x0: {  	(pc) =	sbr.rel $0x88, $3  }
0x1: {  	(tag) =	ssettag $0x0;
	lr =	simm.s32 $0x1  }
0x2: {  	[smem:$0x3F99] =	sst lr;
	_ =	strace $0xD0000000  }
0x3: {  	_ = 	snop  }
0x4: {  	_ = 	snop  }
0x5: {  	_ = 	snop  }
0x6: {  	_ = 	snop  }
0x7: {  	_ = 	snop  }
__scs_overlays_trampoline_lowered:
0x8: {  	[smem:$0x3FA8] =	sst s0  }
0x9: {  	[smem:$0x3FA9] =	sst s1  }
0xa: {  	[smem:$0x3FAA] =	sst s2  }
0xb: {  	[smem:$0x3FAB] =	sst s3  }
0xc: {  	[smem:$0x3FAC] =	sst s4  }
0xd: {  	[smem:$0x3FAD] =	sst s5  }
0xe: {  	[smem:$0x3FAE] =	sst s6  }
0xf: {  	[smem:$0x3FAF] =	sst s7  }
0x10: {  	[smem:$0x3FB0] =	sst s8  }
0x11: {  	[smem:$0x3FB1] =	sst s9;
	s0 =	simm.s32 @!p0 $0x0  }
0x12: {  	s1 =	sld [smem:$0x3F97];
	s0 =	simm.s32 @p0 $0x1  }
0x13: {  	[smem:$0x3FB2] =	sst s0;
	s0 =	simm.s32 @!p1 $0x0  }
0x14: {  	s2 =	sld [smem:$0x3F96];
	s0 =	simm.s32 @p1 $0x1  }
0x15: {  	[smem:$0x3FB3] =	sst s0;
	s0 =	simm.s32 @!p2 $0x0  }
0x16: {  	s3 =	sld [smem:$0x3FDB];
	s0 =	simm.s32 @p2 $0x1  }
0x17: {  	s4 =	simm.s32 $0x1BF5;
	[smem:$0x3FB5] =	sst s0  }
0x18: {  	s0 =	sld [smem:$0x3F98];
	_ =	swait.ge [sflag:s4], $0x0  }
0x19: {  	s7 =	sld [smem:$0x3F99]  }
0x1a: {  	s8 =	sadd.s32 $0xFFFFE003, lr  }
0x1b: {  	s9 =	sadd.s32 $0xFFFFFEF7, lr;
	s5 =	simm.s32 $0xFFFFFFFF;
	p2 =	slt.u32 s8, $0xFFFFF086  }
0x1c: {  	p1 =	slt.u32 s9, $0xF7A;
	s5 =	simm.s32 @!p2 $0x0  }
0x1d: {  	s5 =	simm.s32 @p1 $0x1;
	p0 =	seq.s32 s7, s2  }
0x1e: {  	s7 =	smul.u32 @!p0 $0xF7A, s2;
	p2 =	seq.s32 @!p0 s5, $0x0  }
0x1f: {  	s9 =	smul.u32 $0xF7A, s1;
	s8 =	simm.s32 @!p0 $0x1BF5;
	p2 =	por !p2, p0  }
0x20: {  	[sflag:s8] =	ssyncset.s32 @!p0 $0xFFFFF086;
	s6 =	sadd.s32 @!p0 s3, s7;
	s7 =	simm.s32 @!p0 $0x108  }
0x21: {  	s3 =	sadd.s32 s3, s9;
	s6 =	sadd.s32 @!p0 $0x88, s6;
	s7 =	simm.s32 @p2 $0x1082  }
0x22: {  	[simem:s7], [sflag:s8] =	dma.local @!p0 [hbm:s6], $0xF7A  }
0x23: {  	s9 =	sor.u32 $0xD0000000, s2;
	s6 =	simm.s32 $0x108;
	_ =	swait.ge @!p0 [sflag:s8], $0x0  }
0x24: {  	s3 =	sadd.s32 $0x88, s3;
	s6 =	simm.s32 @!p1 $0x1082;
	[sflag:s4] =	ssyncset.s32 $0xFFFFF086  }
0x25: {  	[simem:s6], [sflag:s4] =	dma.local [hbm:s3], $0xF7A  }
0x26: {  	[smem:$0x3F99] =	sst s1;
	(tag) =	ssettag s2;
	_ =	strace s9  }
0x27: {  	s1 =	sld [smem:$0x3FA9]  }
0x28: {  	s2 =	sld [smem:$0x3FAA]  }
0x29: {  	s4 =	sld [smem:$0x3FAC]  }
0x2a: {  	p0 =	seq.s32 s5, $0x0;
	s5 =	sld [smem:$0x3FAD]  }
0x2b: {  	s6 =	sld [smem:$0x3FAE]  }
0x2c: {  	s7 =	sld [smem:$0x3FAF]  }
0x2d: {  	s3 =	simm.s32 $0x108;
	s8 =	sld [smem:$0x3FB0]  }
0x2e: {  	s3 =	simm.s32 @!p0 $0x1082;
	s9 =	sld [smem:$0x3FB1]  }
0x2f: {  	lr =	sadd.s32 s0, s3;
	s0 =	sld [smem:$0x3FA8]  }
0x30: {  	s3 =	sld [smem:$0x3FAB]  }
0x31: {  	[smem:$0x3FB4] =	sst s10  }
0x32: {  	s10 =	sld [smem:$0x3FB2];
	_ =	sdelay $0x3  }
0x33: {  	p0 =	seq.s32 s10, $0x1;
	s10 =	sld [smem:$0x3FB4];
	_ =	sdelay $0x3  }
0x34: {  	[smem:$0x3FB4] =	sst s10  }
0x35: {  	s10 =	sld [smem:$0x3FB3];
	_ =	sdelay $0x3  }
0x36: {  	p1 =	seq.s32 s10, $0x1;
	s10 =	sld [smem:$0x3FB4];
	_ =	sdelay $0x3  }
0x37: {  	[smem:$0x3FB4] =	sst s10  }
0x38: {  	s10 =	sld [smem:$0x3FB5]  }
0x39: {  	_ = 	snop;
	(pc) =	sbr.ind lr, $3  }
0x3a: {  	_ = 	snop  }
0x3b: {  	_ = 	snop  }
0x3c: {  	p2 =	seq.s32 s10, $0x1;
	s10 =	sld [smem:$0x3FB4]  }
0x3d: {  	_ =	shalt  }
0x3e: {  	_ =	shalt  }
0x3f: {  	_ =	shalt  }
0x40: {  	_ =	shalt  }
0x41: {  	_ =	shalt  }
0x42: {  	_ =	shalt  }
0x43: {  	_ =	shalt  }
0x44: {  	_ =	shalt  }
0x45: {  	_ =	shalt  }
0x46: {  	_ =	shalt  }
0x47: {  	_ =	shalt  }
0x48: {  	_ =	shalt  }
0x49: {  	_ =	shalt  }
0x4a: {  	_ =	shalt  }
0x4b: {  	_ =	shalt  }
0x4c: {  	_ =	shalt  }
0x4d: {  	_ =	shalt  }
0x4e: {  	_ =	shalt  }
0x4f: {  	_ =	shalt  }
0x50: {  	_ =	shalt  }
0x51: {  	_ =	shalt  }
0x52: {  	_ =	shalt  }
0x53: {  	_ =	shalt  }
0x54: {  	_ =	shalt  }
0x55: {  	_ =	shalt  }
0x56: {  	_ =	shalt  }
0x57: {  	_ =	shalt  }
0x58: {  	_ =	shalt  }
0x59: {  	_ =	shalt  }
0x5a: {  	_ =	shalt  }
0x5b: {  	_ =	shalt  }
0x5c: {  	_ =	shalt  }
0x5d: {  	_ =	shalt  }
0x5e: {  	_ =	shalt  }
0x5f: {  	_ =	shalt  }
0x60: {  	_ =	shalt  }
0x61: {  	_ =	shalt  }
0x62: {  	_ =	shalt  }
0x63: {  	_ =	shalt  }
0x64: {  	_ =	shalt  }
0x65: {  	_ =	shalt  }
0x66: {  	_ =	shalt  }
0x67: {  	_ =	shalt  }
0x68: {  	_ =	shalt  }
0x69: {  	_ =	shalt  }
0x6a: {  	_ =	shalt  }
0x6b: {  	_ =	shalt  }
0x6c: {  	_ =	shalt  }
0x6d: {  	_ =	shalt  }
0x6e: {  	_ =	shalt  }
0x6f: {  	_ =	shalt  }
0x70: {  	_ =	shalt  }
0x71: {  	_ =	shalt  }
0x72: {  	_ =	shalt  }
0x73: {  	_ =	shalt  }
0x74: {  	_ =	shalt  }
0x75: {  	_ =	shalt  }
0x76: {  	_ =	shalt  }
0x77: {  	_ =	shalt  }
0x78: {  	_ =	shalt  }
0x79: {  	_ =	shalt  }
0x7a: {  	_ =	shalt  }
0x7b: {  	_ =	shalt  }
0x7c: {  	_ =	shalt  }
0x7d: {  	_ =	shalt  }
0x7e: {  	_ =	shalt  }
0x7f: {  	_ =	shalt  }
0x80: {  	_ =	shalt  }
0x81: {  	_ =	shalt  }
0x82: {  	_ =	shalt  }
0x83: {  	_ =	shalt  }
0x84: {  	_ =	shalt  }
0x85: {  	_ =	shalt  }
0x86: {  	_ =	shalt  }
0x87: {  	_ =	shalt  }
.Lfunc_end0:
.L_simem_size_0:
called_computation_lowered:
.L_overlay_start_0:
0x88: {  	s2 =	sld [smem:$0x3FD9]  }
0x89: {  	s3 =	sld [smem:$0x3FFE];
	_ =	sdelay $0x1  }
0x8a: {  	s1 =	srdreg.scid  }
0x8b: {  	s0 =	sand.u32 $0x1, s1  }
0x8c: {  	s14 =	sshll.u32 s0, $0xA;
	s2 =	sadd.s32 s3, s2  }
0x8d: {  	s2 =	sadd.s32 s2, s14  }
0x8e: {  	[smem:$0x3FC0] =	sst s2  }
0x8f: {  	_ = 	snop  }
0x90: {  	s2 =	sld [smem:$0x3FD0];
	_ =	sdelay $0x2  }
0x91: {  	s15 =	simm.s32 $0xA;
	s4 =	simm.s32 $0x10  }
0x92: {  	[smem:s4], [sflag:s15] =	dma.local [hbm:s2], $0x1  }
0x93: {  	_ =	swait.eq [sflag:s15], $0x1  }
0x94: {  	[sflag:s15] =	ssyncset.done $0x0  }
0x95: {  	[sflag:s15] =	ssyncadd.s32 $0xFFFFFFFF  }
0x96: {  	s16 =	sld [smem:$0x10];
	(tm) =	ssettm $0x1  }
0x97: {  	s17 =	sld [smem:$0x3FFB];
	_ =	sdelay $0x3  }
0x98: {  	_ =	strace s17  }
0x99: {  	s3 =	sld [smem:$0x3FFC];
	_ =	sdelay $0x3  }
0x9a: {  	_ =	strace s3  }
0x9b: {  	s3 =	sld [smem:$0x3FFD];
	_ =	sdelay $0x3  }
0x9c: {  	_ =	strace s3  }
0x9d: {  	_ =	strace $0x8FFFFFFF  }
0x9e: {  	s18 =	sld [smem:$0x3FDB];
	_ =	sdelay $0x1  }
0x9f: {  	s19 =	simm.s32 $_scs_section_size  }
0xa0: {  	s5 =	simm.s32 $_size__tile_overlayer_lowered;
	s6 =	simm.s32 $_tile_overlayer_lowered  }
0xa1: {  	s22 =	simm.s32 $0x1BFF;
	s21 =	sshll.u32 s6, $0x1;
	s3 =	sadd.s32 s19, s18  }
0xa2: {  	s7 =	simm.s32 $0x0;
	s20 =	sshll.u32 s5, $0x1;
	s5 =	sadd.s32 s21, s3  }
0xa3: {  	[timem:s7], [sflag:s22] =	dma.local [hbm:s5], s20  }
0xa4: {  	_ =	swait.ge [sflag:s22], s20  }
0xa5: {  	s4 =	ssub.s32 $0x0, s20;
	[sflag:s22] =	ssyncset.done $0x0  }
0xa6: {  	[sflag:s22] =	ssyncadd.s32 s4;
	_ =	sdelay $0x1  }
0xa7: {  	s23 =	simm.s32 $0x1B8B  }
0xa8: {  	_ =	swait.ge [sflag:s23], $0x1  }
0xa9: {  	[sflag:s23] =	ssyncset.done $0x0  }
0xaa: {  	s25 =	simm.s32 $0x1B8E;
	s24 =	sld [smem:$0x3FFE];
	[sflag:s23] =	ssyncadd.s32 $0xFFFFFFFF  }
0xab: {  	s26 =	simm.s32 $execute0_lowered;
	[smem:$0x3FD2] =	sst s25  }
0xac: {  	s5 =	sshll.u32 s26, $0x1;
	_ =	strace $0x80000046;
	[dreg:$0x1] =	wrdreg $0xFFFFFFFF  }
0xad: {  	s28 =	simm.s32 $_size_execute0_lowered;
	s3 =	sadd.s32 s3, s5;
	[dreg:$0x0] =	wrdreg $0x0  }
0xae: {  	s5 =	sshll.u32 s28, $0x1;
	[dreg:$0x2] =	wrdreg s3  }
0xaf: {  	[dreg:$0x3] =	wrdreg s5  }
0xb0: {  	[dreg:$0x4] =	wrdreg $0xC0  }
0xb1: {  	_ =	task [dreg:s7], $0x5FFFF  }
0xb2: {  	[dreg:$0x1] =	wrdreg $0xFFFFFFFF  }
0xb3: {  	[dreg:$0x0] =	wrdreg $0x60  }
0xb4: {  	[dreg:$0x2] =	wrdreg s24  }
0xb5: {  	[dreg:$0x3] =	wrdreg s16  }
0xb6: {  	[dreg:$0x4] =	wrdreg $0x9  }
0xb7: {  	_ =	task.clear_ibuf [dreg:s7], $0x5FFFF;
	_ =	strace $0x90000046  }
0xb8: {  	s29 =	simm.s32 $0x9;
	_ =	strace $0x80000048  }
0xb9: {  	_ =	swait.ge [sflag:s29], $0x1  }
0xba: {  	[sflag:s29] =	ssyncadd.s32 $0xFFFFFFFF  }
0xbb: {  	_ =	strace $0x90000048  }
0xbc: {  	_ =	sfence  }
0xbd: {  	s30 =	sld [smem:$0x0];
	_ =	sdelay $0x2  }
0xbe: {  	s31 =	sshll.u32 s1, $0xD;
	s1 =	sshrl.u32 s1, $0x2  }
0xbf: {  	s3 =	sand.u32 $0x4000, s31;
	s1 =	sadd.s32 s1, s30  }
0xc0: {  	s0 =	sor.u32 s3, s0;
	s1 =	sshll.u32 s1, $0x11  }
0xc1: {  	s0 =	sor.u32 s1, s0  }
0xc2: {  	s0 =	sadd.s32 $0x8F2B, s0  }
0xc3: {  	[sflag:s0] =	ssyncadd.remote.s32 $0x1  }
0xc4: {  	_ =	sfence.sel $0xFFFF  }
0xc5: {  	[dreg:$0x0] =	wrdreg $0xFFFFFFFF;
	(pc) =	sbr.abs _section_cstart, $3  }
0xc6: {  	[dreg:$0x1] =	wrdreg $0xFFFFFFFF  }
0xc7: {  	_ =	task.clear_ibuf [dreg:s7], $0x2FFFF;
	_ =	strace $0x9FFFFFFF  }
0xc8: {  	(tm) =	ssettm $0x7FFFFFFF  }
0xc9: {  	_ =	shalt  }
tec
execute0_lowered:
.L_overlay_start_1:
0x0: {  	(tag) =	ssettag $0x1  }
0x1: {  	s4 =	rddreg [dreg:$0x0]  }
0x2: {  	s2 =	rddreg [dreg:$0x1];
	s3 =	simm.s32 $0x0  }
0x3: {  	s8 =	simm.s32 $0x1500;
	[smem:$0x7FF] =	sst s3  }
0x4: {  	s9 =	simm.s32 $0x1900;
	_ =	strace $0x80000047;
	[dreg:$0x8] =	wrdreg s8  }
0x5: {  	s10 =	simm.s32 $0x2100;
	[dreg:$0x9] =	wrdreg s9  }
0x6: {  	s11 =	simm.s32 $0x2500;
	[dreg:$0xa] =	wrdreg s10  }
0x7: {  	s12 =	simm.s32 $0x2D00;
	[dreg:$0xb] =	wrdreg s11  }
0x8: {  	s13 =	simm.s32 $0x3100;
	[dreg:$0xc] =	wrdreg s12  }
0x9: {  	s14 =	simm.s32 $0x3900;
	[dreg:$0xd] =	wrdreg s13  }
0xa: {  	s15 =	simm.s32 $0x3D00;
	[dreg:$0xe] =	wrdreg s14  }
0xb: {  	s16 =	simm.s32 $0x4500;
	[dreg:$0xf] =	wrdreg s15  }
0xc: {  	s17 =	simm.s32 $0x4900;
	[dreg:$0x10] =	wrdreg s16  }
0xd: {  	s18 =	simm.s32 $0x5100;
	[dreg:$0x11] =	wrdreg s17  }
0xe: {  	s19 =	simm.s32 $0x5500;
	[dreg:$0x12] =	wrdreg s18  }
0xf: {  	s20 =	simm.s32 $0x5D00;
	[dreg:$0x13] =	wrdreg s19  }
0x10: {  	s21 =	simm.s32 $0x6100;
	[dreg:$0x14] =	wrdreg s20  }
0x11: {  	s22 =	simm.s32 $0x6900;
	[dreg:$0x15] =	wrdreg s21  }
0x12: {  	s23 =	simm.s32 $0x6D00;
	[dreg:$0x16] =	wrdreg s22  }
0x13: {  	s24 =	simm.s32 $0x7500;
	[dreg:$0x17] =	wrdreg s23  }
0x14: {  	s25 =	simm.s32 $0x7900;
	[dreg:$0x18] =	wrdreg s24  }
0x15: {  	s0 =	stileid.u32;
	s26 =	simm.s32 $0x8100;
	[dreg:$0x19] =	wrdreg s25  }
0x16: {  	s5 =	sshll.u32 s0, $0x1;
	s0 =	simm.s32 $0x8500;
	[dreg:$0x1a] =	wrdreg s26  }
0x17: {  	[dreg:$0x1b] =	wrdreg s0;
	s8 =	simm.s32 $0x9D00  }
0x18: {  	s9 =	simm.s32 $0xA500;
	[dreg:$0x1f] =	wrdreg s8  }
0x19: {  	s10 =	simm.s32 $0xA900;
	[smem:$0x7ED] =	sst s9  }
0x1a: {  	s1 =	srdreg.scid;
	s11 =	simm.s32 $0xB100;
	[smem:$0x7EE] =	sst s10  }
0x1b: {  	s28 =	simm.s32 $0x17100;
	s12 =	simm.s32 $0xB500;
	[smem:$0x7EF] =	sst s11  }
0x1c: {  	s29 =	simm.s32 $0x17500;
	s13 =	simm.s32 $0xBD00;
	[smem:$0x7F0] =	sst s12  }
0x1d: {  	s30 =	simm.s32 $0x17D00;
	s14 =	simm.s32 $0xC900;
	[smem:$0x7F1] =	sst s13  }
0x1e: {  	s31 =	simm.s32 $0x3;
	s15 =	simm.s32 $0xCD00;
	[smem:$0x7F2] =	sst s14  }
0x1f: {  	s1 =	sand.u32 $0x1, s1;
	s16 =	simm.s32 $0xD500;
	[smem:$0x7F3] =	sst s15  }
0x20: {  	s5 =	sor.u32 s1, s5;
	s17 =	simm.s32 $0xD900;
	[smem:$0x7F4] =	sst s16  }
0x21: {  	s1 =	ssub.s32 $0x2, s1;
	s18 =	simm.s32 $0xE100;
	[smem:$0x7F5] =	sst s17  }
0x22: {  	s20 =	simm.s32 $0xE500;
	s21 =	simm.s32 $0xED00;
	[smem:$0x7F6] =	sst s18  }
0x23: {  	s22 =	simm.s32 $0xF100;
	s23 =	simm.s32 $0xF900;
	[smem:$0x7F7] =	sst s20  }
0x24: {  	s24 =	simm.s32 $0xFD00;
	s25 =	simm.s32 $0x10500;
	[smem:$0x7F8] =	sst s21  }
0x25: {  	s26 =	simm.s32 $0x10900;
	s7 =	smul.u32 $0x18000, s5;
	[smem:$0x7F9] =	sst s22  }
0x26: {  	s6 =	sshll.u32 s5, $0x5;
	s5 =	smul.u32 $0x3000, s5;
	[smem:$0x7FA] =	sst s23  }
0x27: {  	s19 =	sshrl.u32 s1, $0x1;
	[smem:$0x7FB] =	sst s24;
	s8 =	simm.s32 $0xC100  }
0x28: {  	[smem:$0x7FC] =	sst s25;
	s9 =	simm.s32 $0x1;
	s10 =	simm.s32 $0x2  }
0x29: {  	[smem:$0x7FD] =	sst s26;
	s12 =	simm.s32 $0x11500;
	s13 =	simm.s32 $0x11D00  }
0x2a: {  	s14 =	simm.s32 $0x12100;
	s15 =	simm.s32 $0x12900;
	s16 =	simm.s32 $0x12D00  }
0x2b: {  	s17 =	simm.s32 $0x13500;
	s18 =	simm.s32 $0x13900;
	s20 =	simm.s32 $0x14500  }
0x2c: {  	s21 =	simm.s32 $0x14D00;
	s22 =	simm.s32 $0x15100;
	s6 =	sadd.s32 s6, s4  }
0x2d: {  	s23 =	simm.s32 $0x15900;
	s4 =	sadd.s32 $0x62200, s4;
	s6 =	sadd.s32 $0xC2200, s6  }
0x2e: {  	s24 =	simm.s32 $0x15D00;
	s5 =	sadd.s32 s4, s5;
	[dreg:$0x3] =	wrdreg s6  }
0x2f: {  	s7 =	sshrl.u32 s7, $0x3;
	[dreg:$0x4] =	wrdreg s5;
	s6 =	simm.s32 $0x900  }
0x30: {  	s4 =	sadd.s32 s4, s7;
	s7 =	simm.s32 $0xD00;
	[dreg:$0x6] =	wrdreg s6  }
0x31: {  	s25 =	simm.s32 $0x16500;
	s5 =	simm.s32 $0x8D00;
	[dreg:$0x7] =	wrdreg s7  }
0x32: {  	s26 =	simm.s32 $0x16900;
	s4 =	sadd.s32 $0x1800, s4;
	[dreg:$0x1c] =	wrdreg s5  }
0x33: {  	s1 =	ssub.s32 s1, s19;
	s6 =	simm.s32 $0x9100;
	[dreg:$0x5] =	wrdreg s4  }
0x34: {  	v2 =	vlaneseq.u32;
	s19 =	simm.s32 $0x14100;
	s7 =	simm.s32 $0x9900;
	[dreg:$0x1d] =	wrdreg s6  }
0x35: {  	vm0 =	vmmov $0xffff;
	vm1 =	vmmov $0xff;
	v1 =	vshrl.u32 v2, $0x3;
	s5 =	smax.u32 s1, $0x1;
	s1 =	simm.s32 $0x4;
	[dreg:$0x1e] =	wrdreg s7  }
0x36: {  	v0 =	vand.u32 $0x7, v2;
	v2 =	vor.u32 $0x8, v2;
	v1 =	vmul.u32 $0x8, v1;
	s4 =	sadd.s32 $0x100, s2;
	s6 =	simm.s32 $0x5;
	s7 =	simm.s32 $0x100  }
.LBB2_1:
0x37: {  	s0 =	rddreg [dreg:$0x3]  }
0x38: {  	[tilespmem:s3], [sflag:$0x5] =	stream.linear.gather [hbm4b:s0+s3], $0x100, $0x38;
	[tilespmem:$0x18100] =	vst v63  }
0x39: {  	_ =	swait.ge [sflag:s6], $0x100  }
0x3a: {  	[sflag:s6] =	ssyncset.done $0x0  }
0x3b: {  	s0 =	rddreg [dreg:$0x4];
	[sflag:s6] =	ssyncadd.s32 $0xFFFFFF00  }
0x3c: {  	[tilespmem:s7], [sflag:$0x1] =	stream.linear.gather [hbm4b:s0+s3], $0xC000, $0x38;
	[tilespmem:$0x18100] =	vst v63  }
0x3d: {  	s11 =	rddreg [dreg:$0x5]  }
0x3e: {  	[tilespmem:s8], [sflag:$0x2] =	stream.linear.gather [hbm4b:s11+s3], $0xC000, $0x38;
	[tilespmem:$0x18100] =	vst v63  }
0x3f: {  	_ =	swait.ge [sflag:s9], $0xC000  }
0x40: {  	[sflag:s9] =	ssyncset.done $0x0  }
0x41: {  	[sflag:s9] =	ssyncadd.s32 $0xFFFF4000  }
0x42: {  	v3 =	vld [tilespmem:$0x0];
	_ =	sdelay $0x4  }
0x43: {  	v4 =	vshrl.u32 v3, $0x3  }
0x44: {  	v4 =	vmul.u32 $0x18, v4  }
0x45: {  	v3 =	vand.u32 $0x7, v3  }
0x46: {  	v3 =	vor.u32 v3, v4  }
0x47: {  	v4 =	vperm.xlane v3, v0;
	_ =	sdelay $0x1  }
0x48: {  	v4 =	vadd.s32 v1, v4;
	_ =	sdelay $0x1  }
0x49: {  	v3 =	vperm.xlane v3, v2;
	_ =	sdelay $0x1  }
0x4a: {  	v3 =	vadd.s32 v1, v3  }
0x4b: {  	[hbm4b:s2+s3] =	stream.indirect_vreg.scatter [tilespmem:s7], [sflag:$0x3], $0x80, v4, vm0, $0xb8;
	[tilespmem:$0x18100] =	vst v63  }
0x4c: {  	s0 =	rddreg [dreg:$0x6]  }
0x4d: {  	[hbm4b:s4+s3] =	stream.indirect_vreg.scatter [tilespmem:s0], [sflag:$0x3], $0x80, v4, vm1, $0xb8;
	[tilespmem:$0x18100] =	vst v63  }
0x4e: {  	s11 =	rddreg [dreg:$0x7]  }
0x4f: {  	[hbm4b:s2+s3] =	stream.indirect_vreg.scatter [tilespmem:s11], [sflag:$0x3], $0x80, v3, vm0, $0xb8;
	[tilespmem:$0x18100] =	vst v63  }
0x50: {  	s0 =	rddreg [dreg:$0x8]  }
0x51: {  	[hbm4b:s4+s3] =	stream.indirect_vreg.scatter [tilespmem:s0], [sflag:$0x3], $0x80, v3, vm1, $0xb8;
	[tilespmem:$0x18100] =	vst v63  }
0x52: {  	v3 =	vld [tilespmem:$0x10];
	_ =	sdelay $0x4  }
0x53: {  	v49 =	vshrl.u32 v3, $0x3  }
0x54: {  	v4 =	vmul.u32 $0x18, v49  }
0x55: {  	v3 =	vand.u32 $0x7, v3  }
0x56: {  	v3 =	vor.u32 v3, v4  }
0x57: {  	v4 =	vperm.xlane v3, v0;
	_ =	sdelay $0x1  }
0x58: {  	v4 =	vadd.s32 v1, v4;
	_ =	sdelay $0x1  }
0x59: {  	v3 =	vperm.xlane v3, v2;
	_ =	sdelay $0x1  }
0x5a: {  	s0 =	rddreg [dreg:$0x9];
	v3 =	vadd.s32 v1, v3  }
0x5b: {  	[hbm4b:s2+s3] =	stream.indirect_vreg.scatter [tilespmem:s0], [sflag:$0x3], $0x80, v4, vm0, $0xb8;
	[tilespmem:$0x18100] =	vst v63  }
0x5c: {  	s11 =	rddreg [dreg:$0xa]  }
0x5d: {  	[hbm4b:s4+s3] =	stream.indirect_vreg.scatter [tilespmem:s11], [sflag:$0x3], $0x80, v4, vm1, $0xb8;
	[tilespmem:$0x18100] =	vst v63  }
0x5e: {  	s0 =	rddreg [dreg:$0xb]  }
0x5f: {  	[hbm4b:s2+s3] =	stream.indirect_vreg.scatter [tilespmem:s0], [sflag:$0x3], $0x80, v3, vm0, $0xb8;
	[tilespmem:$0x18100] =	vst v63  }
0x60: {  	s11 =	rddreg [dreg:$0xc]  }
0x61: {  	[hbm4b:s4+s3] =	stream.indirect_vreg.scatter [tilespmem:s11], [sflag:$0x3], $0x80, v3, vm1, $0xb8;
	[tilespmem:$0x18100] =	vst v63  }
0x62: {  	v3 =	vld [tilespmem:$0x20];
	_ =	sdelay $0x4  }
0x63: {  	v50 =	vshrl.u32 v3, $0x3  }
0x64: {  	v4 =	vmul.u32 $0x18, v50  }
0x65: {  	v3 =	vand.u32 $0x7, v3  }
0x66: {  	v3 =	vor.u32 v3, v4  }
0x67: {  	v4 =	vperm.xlane v3, v0;
	_ =	sdelay $0x1  }
0x68: {  	v4 =	vadd.s32 v1, v4;
	_ =	sdelay $0x1  }
0x69: {  	v3 =	vperm.xlane v3, v2;
	_ =	sdelay $0x1  }
0x6a: {  	s0 =	rddreg [dreg:$0xd];
	v3 =	vadd.s32 v1, v3  }
0x6b: {  	[hbm4b:s2+s3] =	stream.indirect_vreg.scatter [tilespmem:s0], [sflag:$0x3], $0x80, v4, vm0, $0xb8;
	[tilespmem:$0x18100] =	vst v63  }
0x6c: {  	s11 =	rddreg [dreg:$0xe]  }
0x6d: {  	[hbm4b:s4+s3] =	stream.indirect_vreg.scatter [tilespmem:s11], [sflag:$0x3], $0x80, v4, vm1, $0xb8;
	[tilespmem:$0x18100] =	vst v63  }
0x6e: {  	s0 =	rddreg [dreg:$0xf]  }
0x6f: {  	[hbm4b:s2+s3] =	stream.indirect_vreg.scatter [tilespmem:s0], [sflag:$0x3], $0x80, v3, vm0, $0xb8;
	[tilespmem:$0x18100] =	vst v63  }
0x70: {  	s11 =	rddreg [dreg:$0x10]  }
0x71: {  	[hbm4b:s4+s3] =	stream.indirect_vreg.scatter [tilespmem:s11], [sflag:$0x3], $0x80, v3, vm1, $0xb8;
	[tilespmem:$0x18100] =	vst v63  }
0x72: {  	v3 =	vld [tilespmem:$0x30];
	_ =	sdelay $0x4  }
0x73: {  	v51 =	vshrl.u32 v3, $0x3  }
0x74: {  	v4 =	vmul.u32 $0x18, v51  }
0x75: {  	v3 =	vand.u32 $0x7, v3  }
0x76: {  	v3 =	vor.u32 v3, v4  }
0x77: {  	v4 =	vperm.xlane v3, v0;
	_ =	sdelay $0x1  }
0x78: {  	v4 =	vadd.s32 v1, v4;
	_ =	sdelay $0x1  }
0x79: {  	v3 =	vperm.xlane v3, v2;
	_ =	sdelay $0x1  }
0x7a: {  	s0 =	rddreg [dreg:$0x11];
	v3 =	vadd.s32 v1, v3  }
0x7b: {  	[hbm4b:s2+s3] =	stream.indirect_vreg.scatter [tilespmem:s0], [sflag:$0x3], $0x80, v4, vm0, $0xb8;
	[tilespmem:$0x18100] =	vst v63  }
0x7c: {  	s11 =	rddreg [dreg:$0x12]  }
0x7d: {  	[hbm4b:s4+s3] =	stream.indirect_vreg.scatter [tilespmem:s11], [sflag:$0x3], $0x80, v4, vm1, $0xb8;
	[tilespmem:$0x18100] =	vst v63  }
0x7e: {  	s0 =	rddreg [dreg:$0x13]  }
0x7f: {  	[hbm4b:s2+s3] =	stream.indirect_vreg.scatter [tilespmem:s0], [sflag:$0x3], $0x80, v3, vm0, $0xb8;
	[tilespmem:$0x18100] =	vst v63  }
0x80: {  	s11 =	rddreg [dreg:$0x14]  }
0x81: {  	[hbm4b:s4+s3] =	stream.indirect_vreg.scatter [tilespmem:s11], [sflag:$0x3], $0x80, v3, vm1, $0xb8;
	[tilespmem:$0x18100] =	vst v63  }
0x82: {  	v3 =	vld [tilespmem:$0x40];
	_ =	sdelay $0x4  }
0x83: {  	v52 =	vshrl.u32 v3, $0x3  }
0x84: {  	v4 =	vmul.u32 $0x18, v52  }
0x85: {  	v3 =	vand.u32 $0x7, v3  }
0x86: {  	v3 =	vor.u32 v3, v4  }
0x87: {  	v4 =	vperm.xlane v3, v0;
	_ =	sdelay $0x1  }
0x88: {  	v4 =	vadd.s32 v1, v4;
	_ =	sdelay $0x1  }
0x89: {  	v3 =	vperm.xlane v3, v2;
	_ =	sdelay $0x1  }
0x8a: {  	s0 =	rddreg [dreg:$0x15];
	v3 =	vadd.s32 v1, v3  }
0x8b: {  	[hbm4b:s2+s3] =	stream.indirect_vreg.scatter [tilespmem:s0], [sflag:$0x3], $0x80, v4, vm0, $0xb8;
	[tilespmem:$0x18100] =	vst v63  }
0x8c: {  	s11 =	rddreg [dreg:$0x16]  }
0x8d: {  	[hbm4b:s4+s3] =	stream.indirect_vreg.scatter [tilespmem:s11], [sflag:$0x3], $0x80, v4, vm1, $0xb8;
	[tilespmem:$0x18100] =	vst v63  }
0x8e: {  	s0 =	rddreg [dreg:$0x17]  }
0x8f: {  	[hbm4b:s2+s3] =	stream.indirect_vreg.scatter [tilespmem:s0], [sflag:$0x3], $0x80, v3, vm0, $0xb8;
	[tilespmem:$0x18100] =	vst v63  }
0x90: {  	s11 =	rddreg [dreg:$0x18]  }
0x91: {  	[hbm4b:s4+s3] =	stream.indirect_vreg.scatter [tilespmem:s11], [sflag:$0x3], $0x80, v3, vm1, $0xb8;
	[tilespmem:$0x18100] =	vst v63  }
0x92: {  	v3 =	vld [tilespmem:$0x50];
	_ =	sdelay $0x4  }
0x93: {  	v53 =	vshrl.u32 v3, $0x3  }
0x94: {  	v4 =	vmul.u32 $0x18, v53  }
0x95: {  	v3 =	vand.u32 $0x7, v3  }
0x96: {  	v3 =	vor.u32 v3, v4  }
0x97: {  	v4 =	vperm.xlane v3, v0;
	_ =	sdelay $0x1  }
0x98: {  	v4 =	vadd.s32 v1, v4;
	_ =	sdelay $0x1  }
0x99: {  	v3 =	vperm.xlane v3, v2;
	_ =	sdelay $0x1  }
0x9a: {  	s0 =	rddreg [dreg:$0x19];
	v3 =	vadd.s32 v1, v3  }
0x9b: {  	[hbm4b:s2+s3] =	stream.indirect_vreg.scatter [tilespmem:s0], [sflag:$0x3], $0x80, v4, vm0, $0xb8;
	[tilespmem:$0x18100] =	vst v63  }
0x9c: {  	s11 =	rddreg [dreg:$0x1a]  }
0x9d: {  	[hbm4b:s4+s3] =	stream.indirect_vreg.scatter [tilespmem:s11], [sflag:$0x3], $0x80, v4, vm1, $0xb8;
	[tilespmem:$0x18100] =	vst v63  }
0x9e: {  	s0 =	rddreg [dreg:$0x1b]  }
0x9f: {  	[hbm4b:s2+s3] =	stream.indirect_vreg.scatter [tilespmem:s0], [sflag:$0x3], $0x80, v3, vm0, $0xb8;
	[tilespmem:$0x18100] =	vst v63  }
0xa0: {  	s11 =	rddreg [dreg:$0x1c]  }
0xa1: {  	[hbm4b:s4+s3] =	stream.indirect_vreg.scatter [tilespmem:s11], [sflag:$0x3], $0x80, v3, vm1, $0xb8;
	[tilespmem:$0x18100] =	vst v63  }
0xa2: {  	v3 =	vld [tilespmem:$0x60];
	_ =	sdelay $0x4  }
0xa3: {  	v54 =	vshrl.u32 v3, $0x3  }
0xa4: {  	v4 =	vmul.u32 $0x18, v54  }
0xa5: {  	v3 =	vand.u32 $0x7, v3  }
0xa6: {  	v3 =	vor.u32 v3, v4  }
0xa7: {  	v4 =	vperm.xlane v3, v0;
	_ =	sdelay $0x1  }
0xa8: {  	v4 =	vadd.s32 v1, v4;
	_ =	sdelay $0x1  }
0xa9: {  	v3 =	vperm.xlane v3, v2  }
0xaa: {  	s0 =	rddreg [dreg:$0x1d]  }
0xab: {  	s11 =	rddreg [dreg:$0x1e];
	v3 =	vadd.s32 v1, v3  }
0xac: {  	[hbm4b:s2+s3] =	stream.indirect_vreg.scatter [tilespmem:s0], [sflag:$0x3], $0x80, v4, vm0, $0xb8;
	[tilespmem:$0x18100] =	vst v63  }
0xad: {  	s0 =	rddreg [dreg:$0x1f]  }
0xae: {  	[hbm4b:s4+s3] =	stream.indirect_vreg.scatter [tilespmem:s11], [sflag:$0x3], $0x80, v4, vm1, $0xb8;
	[tilespmem:$0x18100] =	vst v63  }
0xaf: {  	s11 =	sld [smem:$0x7ED]  }
0xb0: {  	[hbm4b:s2+s3] =	stream.indirect_vreg.scatter [tilespmem:s0], [sflag:$0x3], $0x80, v3, vm0, $0xb8;
	[tilespmem:$0x18100] =	vst v63  }
0xb1: {  	_ = 	snop  }
0xb2: {  	[hbm4b:s4+s3] =	stream.indirect_vreg.scatter [tilespmem:s11], [sflag:$0x3], $0x80, v3, vm1, $0xb8;
	[tilespmem:$0x18100] =	vst v63  }
0xb3: {  	v3 =	vld [tilespmem:$0x70];
	_ =	sdelay $0x4  }
0xb4: {  	v55 =	vshrl.u32 v3, $0x3  }
0xb5: {  	v4 =	vmul.u32 $0x18, v55  }
0xb6: {  	v3 =	vand.u32 $0x7, v3  }
0xb7: {  	v3 =	vor.u32 v3, v4  }
0xb8: {  	v4 =	vperm.xlane v3, v0;
	_ =	sdelay $0x1  }
0xb9: {  	v4 =	vadd.s32 v1, v4;
	_ =	sdelay $0x1  }
0xba: {  	s0 =	sld [smem:$0x7EE];
	v3 =	vperm.xlane v3, v2;
	_ =	sdelay $0x1  }
0xbb: {  	s11 =	sld [smem:$0x7EF];
	v3 =	vadd.s32 v1, v3  }
0xbc: {  	[hbm4b:s2+s3] =	stream.indirect_vreg.scatter [tilespmem:s0], [sflag:$0x3], $0x80, v4, vm0, $0xb8;
	[tilespmem:$0x18100] =	vst v63  }
0xbd: {  	s0 =	sld [smem:$0x7F0]  }
0xbe: {  	[hbm4b:s4+s3] =	stream.indirect_vreg.scatter [tilespmem:s11], [sflag:$0x3], $0x80, v4, vm1, $0xb8;
	[tilespmem:$0x18100] =	vst v63  }
0xbf: {  	s11 =	sld [smem:$0x7F1]  }
0xc0: {  	[hbm4b:s2+s3] =	stream.indirect_vreg.scatter [tilespmem:s0], [sflag:$0x3], $0x80, v3, vm0, $0xb8;
	[tilespmem:$0x18100] =	vst v63  }
0xc1: {  	_ = 	snop  }
0xc2: {  	[hbm4b:s4+s3] =	stream.indirect_vreg.scatter [tilespmem:s11], [sflag:$0x3], $0x80, v3, vm1, $0xb8;
	[tilespmem:$0x18100] =	vst v63  }
0xc3: {  	_ =	swait.ge [sflag:s10], $0xC000  }
0xc4: {  	[sflag:s10] =	ssyncset.done $0x0  }
0xc5: {  	[sflag:s10] =	ssyncadd.s32 $0xFFFF4000  }
0xc6: {  	v3 =	vld [tilespmem:$0x80];
	_ =	sdelay $0x4  }
0xc7: {  	v56 =	vshrl.u32 v3, $0x3  }
0xc8: {  	v4 =	vmul.u32 $0x18, v56  }
0xc9: {  	v3 =	vand.u32 $0x7, v3  }
0xca: {  	v3 =	vor.u32 v3, v4  }
0xcb: {  	v4 =	vperm.xlane v3, v0;
	_ =	sdelay $0x1  }
0xcc: {  	v4 =	vadd.s32 v1, v4;
	_ =	sdelay $0x1  }
0xcd: {  	v3 =	vperm.xlane v3, v2;
	_ =	sdelay $0x1  }
0xce: {  	s0 =	sld [smem:$0x7F2];
	v3 =	vadd.s32 v1, v3  }
0xcf: {  	[hbm4b:s2+s3] =	stream.indirect_vreg.scatter [tilespmem:s8], [sflag:$0x4], $0x80, v4, vm0, $0xb8;
	[tilespmem:$0x18100] =	vst v63  }
0xd0: {  	s11 =	sld [smem:$0x7F3]  }
0xd1: {  	[hbm4b:s4+s3] =	stream.indirect_vreg.scatter [tilespmem:s0], [sflag:$0x4], $0x80, v4, vm1, $0xb8;
	[tilespmem:$0x18100] =	vst v63  }
0xd2: {  	s0 =	sld [smem:$0x7F4]  }
0xd3: {  	[hbm4b:s2+s3] =	stream.indirect_vreg.scatter [tilespmem:s11], [sflag:$0x4], $0x80, v3, vm0, $0xb8;
	[tilespmem:$0x18100] =	vst v63  }
0xd4: {  	_ = 	snop  }
0xd5: {  	[hbm4b:s4+s3] =	stream.indirect_vreg.scatter [tilespmem:s0], [sflag:$0x4], $0x80, v3, vm1, $0xb8;
	[tilespmem:$0x18100] =	vst v63  }
0xd6: {  	v3 =	vld [tilespmem:$0x90];
	_ =	sdelay $0x4  }
0xd7: {  	v57 =	vshrl.u32 v3, $0x3  }
0xd8: {  	v4 =	vmul.u32 $0x18, v57  }
0xd9: {  	v3 =	vand.u32 $0x7, v3  }
0xda: {  	v3 =	vor.u32 v3, v4  }
0xdb: {  	v4 =	vperm.xlane v3, v0;
	_ =	sdelay $0x1  }
0xdc: {  	v4 =	vadd.s32 v1, v4;
	_ =	sdelay $0x1  }
0xdd: {  	s0 =	sld [smem:$0x7F5];
	v3 =	vperm.xlane v3, v2;
	_ =	sdelay $0x1  }
0xde: {  	s11 =	sld [smem:$0x7F6];
	v3 =	vadd.s32 v1, v3  }
0xdf: {  	[hbm4b:s2+s3] =	stream.indirect_vreg.scatter [tilespmem:s0], [sflag:$0x4], $0x80, v4, vm0, $0xb8;
	[tilespmem:$0x18100] =	vst v63  }
0xe0: {  	s0 =	sld [smem:$0x7F7]  }
0xe1: {  	[hbm4b:s4+s3] =	stream.indirect_vreg.scatter [tilespmem:s11], [sflag:$0x4], $0x80, v4, vm1, $0xb8;
	[tilespmem:$0x18100] =	vst v63  }
0xe2: {  	s11 =	sld [smem:$0x7F8]  }
0xe3: {  	[hbm4b:s2+s3] =	stream.indirect_vreg.scatter [tilespmem:s0], [sflag:$0x4], $0x80, v3, vm0, $0xb8;
	[tilespmem:$0x18100] =	vst v63  }
0xe4: {  	_ = 	snop  }
0xe5: {  	[hbm4b:s4+s3] =	stream.indirect_vreg.scatter [tilespmem:s11], [sflag:$0x4], $0x80, v3, vm1, $0xb8;
	[tilespmem:$0x18100] =	vst v63  }
0xe6: {  	v3 =	vld [tilespmem:$0xA0];
	_ =	sdelay $0x4  }
0xe7: {  	v58 =	vshrl.u32 v3, $0x3  }
0xe8: {  	v4 =	vmul.u32 $0x18, v58  }
0xe9: {  	v3 =	vand.u32 $0x7, v3  }
0xea: {  	v3 =	vor.u32 v3, v4  }
0xeb: {  	v4 =	vperm.xlane v3, v0;
	_ =	sdelay $0x1  }
0xec: {  	v4 =	vadd.s32 v1, v4;
	_ =	sdelay $0x1  }
0xed: {  	s0 =	sld [smem:$0x7F9];
	v3 =	vperm.xlane v3, v2;
	_ =	sdelay $0x1  }
0xee: {  	s11 =	sld [smem:$0x7FA];
	v3 =	vadd.s32 v1, v3  }
0xef: {  	[hbm4b:s2+s3] =	stream.indirect_vreg.scatter [tilespmem:s0], [sflag:$0x4], $0x80, v4, vm0, $0xb8;
	[tilespmem:$0x18100] =	vst v63  }
0xf0: {  	s0 =	sld [smem:$0x7FB]  }
0xf1: {  	[hbm4b:s4+s3] =	stream.indirect_vreg.scatter [tilespmem:s11], [sflag:$0x4], $0x80, v4, vm1, $0xb8;
	[tilespmem:$0x18100] =	vst v63  }
0xf2: {  	s11 =	sld [smem:$0x7FC]  }
0xf3: {  	[hbm4b:s2+s3] =	stream.indirect_vreg.scatter [tilespmem:s0], [sflag:$0x4], $0x80, v3, vm0, $0xb8;
	[tilespmem:$0x18100] =	vst v63  }
0xf4: {  	_ = 	snop  }
0xf5: {  	[hbm4b:s4+s3] =	stream.indirect_vreg.scatter [tilespmem:s11], [sflag:$0x4], $0x80, v3, vm1, $0xb8;
	[tilespmem:$0x18100] =	vst v63  }
0xf6: {  	v3 =	vld [tilespmem:$0xB0];
	_ =	sdelay $0x4  }
0xf7: {  	v59 =	vshrl.u32 v3, $0x3  }
0xf8: {  	v4 =	vmul.u32 $0x18, v59  }
0xf9: {  	v3 =	vand.u32 $0x7, v3  }
0xfa: {  	v3 =	vor.u32 v3, v4  }
0xfb: {  	v4 =	vperm.xlane v3, v0;
	_ =	sdelay $0x1  }
0xfc: {  	v4 =	vadd.s32 v1, v4;
	_ =	sdelay $0x1  }
0xfd: {  	s11 =	sld [smem:$0x7FD];
	v3 =	vperm.xlane v3, v2;
	_ =	sdelay $0x1  }
0xfe: {  	v3 =	vadd.s32 v1, v3  }
0xff: {  	[hbm4b:s2+s3] =	stream.indirect_vreg.scatter [tilespmem:s11], [sflag:$0x4], $0x80, v4, vm0, $0xb8;
	[tilespmem:$0x18100] =	vst v63  }
0x100: {  	s11 =	simm.s32 $0x11100  }
0x101: {  	[hbm4b:s4+s3] =	stream.indirect_vreg.scatter [tilespmem:s11], [sflag:$0x4], $0x80, v4, vm1, $0xb8;
	[tilespmem:$0x18100] =	vst v63  }
0x102: {  	_ = 	snop  }
0x103: {  	[hbm4b:s2+s3] =	stream.indirect_vreg.scatter [tilespmem:s12], [sflag:$0x4], $0x80, v3, vm0, $0xb8;
	[tilespmem:$0x18100] =	vst v63  }
0x104: {  	_ = 	snop  }
0x105: {  	[hbm4b:s4+s3] =	stream.indirect_vreg.scatter [tilespmem:s13], [sflag:$0x4], $0x80, v3, vm1, $0xb8;
	[tilespmem:$0x18100] =	vst v63  }
0x106: {  	v3 =	vld [tilespmem:$0xC0];
	_ =	sdelay $0x4  }
0x107: {  	v60 =	vshrl.u32 v3, $0x3  }
0x108: {  	v4 =	vmul.u32 $0x18, v60  }
0x109: {  	v3 =	vand.u32 $0x7, v3  }
0x10a: {  	v3 =	vor.u32 v3, v4  }
0x10b: {  	v4 =	vperm.xlane v3, v0;
	_ =	sdelay $0x1  }
0x10c: {  	v4 =	vadd.s32 v1, v4;
	_ =	sdelay $0x1  }
0x10d: {  	v3 =	vperm.xlane v3, v2;
	_ =	sdelay $0x1  }
0x10e: {  	v3 =	vadd.s32 v1, v3  }
0x10f: {  	[hbm4b:s2+s3] =	stream.indirect_vreg.scatter [tilespmem:s14], [sflag:$0x4], $0x80, v4, vm0, $0xb8;
	[tilespmem:$0x18100] =	vst v63  }
0x110: {  	_ = 	snop  }
0x111: {  	[hbm4b:s4+s3] =	stream.indirect_vreg.scatter [tilespmem:s15], [sflag:$0x4], $0x80, v4, vm1, $0xb8;
	[tilespmem:$0x18100] =	vst v63  }
0x112: {  	_ = 	snop  }
0x113: {  	[hbm4b:s2+s3] =	stream.indirect_vreg.scatter [tilespmem:s16], [sflag:$0x4], $0x80, v3, vm0, $0xb8;
	[tilespmem:$0x18100] =	vst v63  }
0x114: {  	_ = 	snop  }
0x115: {  	[hbm4b:s4+s3] =	stream.indirect_vreg.scatter [tilespmem:s17], [sflag:$0x4], $0x80, v3, vm1, $0xb8;
	[tilespmem:$0x18100] =	vst v63  }
0x116: {  	v3 =	vld [tilespmem:$0xD0];
	_ =	sdelay $0x4  }
0x117: {  	v61 =	vshrl.u32 v3, $0x3  }
0x118: {  	v4 =	vmul.u32 $0x18, v61  }
0x119: {  	v3 =	vand.u32 $0x7, v3  }
0x11a: {  	v3 =	vor.u32 v3, v4  }
0x11b: {  	v4 =	vperm.xlane v3, v0;
	_ =	sdelay $0x1  }
0x11c: {  	v4 =	vadd.s32 v1, v4;
	_ =	sdelay $0x1  }
0x11d: {  	v3 =	vperm.xlane v3, v2;
	_ =	sdelay $0x1  }
0x11e: {  	v3 =	vadd.s32 v1, v3  }
0x11f: {  	[hbm4b:s2+s3] =	stream.indirect_vreg.scatter [tilespmem:s18], [sflag:$0x4], $0x80, v4, vm0, $0xb8;
	[tilespmem:$0x18100] =	vst v63  }
0x120: {  	_ = 	snop  }
0x121: {  	[hbm4b:s4+s3] =	stream.indirect_vreg.scatter [tilespmem:s19], [sflag:$0x4], $0x80, v4, vm1, $0xb8;
	[tilespmem:$0x18100] =	vst v63  }
0x122: {  	_ = 	snop  }
0x123: {  	[hbm4b:s2+s3] =	stream.indirect_vreg.scatter [tilespmem:s20], [sflag:$0x4], $0x80, v3, vm0, $0xb8;
	[tilespmem:$0x18100] =	vst v63  }
0x124: {  	_ = 	snop  }
0x125: {  	[hbm4b:s4+s3] =	stream.indirect_vreg.scatter [tilespmem:s21], [sflag:$0x4], $0x80, v3, vm1, $0xb8;
	[tilespmem:$0x18100] =	vst v63  }
0x126: {  	v3 =	vld [tilespmem:$0xE0];
	_ =	sdelay $0x4  }
0x127: {  	v62 =	vshrl.u32 v3, $0x3  }
0x128: {  	v4 =	vmul.u32 $0x18, v62  }
0x129: {  	v3 =	vand.u32 $0x7, v3  }
0x12a: {  	v3 =	vor.u32 v3, v4  }
0x12b: {  	v4 =	vperm.xlane v3, v0;
	_ =	sdelay $0x1  }
0x12c: {  	v4 =	vadd.s32 v1, v4;
	_ =	sdelay $0x1  }
0x12d: {  	v3 =	vperm.xlane v3, v2;
	_ =	sdelay $0x1  }
0x12e: {  	v3 =	vadd.s32 v1, v3  }
0x12f: {  	[hbm4b:s2+s3] =	stream.indirect_vreg.scatter [tilespmem:s22], [sflag:$0x4], $0x80, v4, vm0, $0xb8;
	[tilespmem:$0x18100] =	vst v63  }
0x130: {  	_ = 	snop  }
0x131: {  	[hbm4b:s4+s3] =	stream.indirect_vreg.scatter [tilespmem:s23], [sflag:$0x4], $0x80, v4, vm1, $0xb8;
	[tilespmem:$0x18100] =	vst v63  }
0x132: {  	_ = 	snop  }
0x133: {  	[hbm4b:s2+s3] =	stream.indirect_vreg.scatter [tilespmem:s24], [sflag:$0x4], $0x80, v3, vm0, $0xb8;
	[tilespmem:$0x18100] =	vst v63  }
0x134: {  	_ = 	snop  }
0x135: {  	[hbm4b:s4+s3] =	stream.indirect_vreg.scatter [tilespmem:s25], [sflag:$0x4], $0x80, v3, vm1, $0xb8;
	[tilespmem:$0x18100] =	vst v63  }
0x136: {  	v3 =	vld [tilespmem:$0xF0];
	_ =	sdelay $0x4  }
0x137: {  	v63 =	vshrl.u32 v3, $0x3  }
0x138: {  	v4 =	vmul.u32 $0x18, v63  }
0x139: {  	v3 =	vand.u32 $0x7, v3  }
0x13a: {  	v3 =	vor.u32 v3, v4  }
0x13b: {  	v4 =	vperm.xlane v3, v0;
	_ =	sdelay $0x1  }
0x13c: {  	v4 =	vadd.s32 v1, v4;
	_ =	sdelay $0x1  }
0x13d: {  	v3 =	vperm.xlane v3, v2;
	_ =	sdelay $0x1  }
0x13e: {  	v3 =	vadd.s32 v1, v3  }
0x13f: {  	[hbm4b:s2+s3] =	stream.indirect_vreg.scatter [tilespmem:s26], [sflag:$0x4], $0x80, v4, vm0, $0xb8;
	[tilespmem:$0x18100] =	vst v63  }
0x140: {  	_ = 	snop  }
0x141: {  	[hbm4b:s4+s3] =	stream.indirect_vreg.scatter [tilespmem:s28], [sflag:$0x4], $0x80, v4, vm1, $0xb8;
	[tilespmem:$0x18100] =	vst v63  }
0x142: {  	_ = 	snop  }
0x143: {  	[hbm4b:s2+s3] =	stream.indirect_vreg.scatter [tilespmem:s29], [sflag:$0x4], $0x80, v3, vm0, $0xb8;
	[tilespmem:$0x18100] =	vst v63  }
0x144: {  	_ = 	snop  }
0x145: {  	[hbm4b:s4+s3] =	stream.indirect_vreg.scatter [tilespmem:s30], [sflag:$0x4], $0x80, v3, vm1, $0xb8;
	[tilespmem:$0x18100] =	vst v63  }
0x146: {  	p0 =	sne.s32 s5, $0x1;
	_ =	swait.ge [sflag:s31], $0xC000  }
.Ltmp0:
0x147: {  	[sflag:s31] =	ssyncset.done $0x0;
	(pc) =	sbr.rel @p0 .LBB2_1-.Ltmp0, $4  }
0x148: {  	[sflag:s31] =	ssyncadd.s32 $0xFFFF4000  }
0x149: {  	_ =	swait.ge [sflag:s1], $0xC000  }
0x14a: {  	[sflag:s1] =	ssyncset.done $0x0  }
0x14b: {  	s5 =	sadd.s32 $0xFFFFFFFF, s5;
	[sflag:s1] =	ssyncadd.s32 $0xFFFF4000  }
0x14c: {  	_ =	sfence.sel $0x180000  }
0x14d: {  	[bflag:$0x0] =	sbarrier.arrive $0xFFFF  }
0x14e: {  	_ =	strace $0x90000047  }
0x14f: {  	s0 =	stileid.u32;
	[bflag:$0x2] =	sbarrier.arrive $0xFFFF  }
0x150: {  	p0 =	sne.s32 s0, $0x0;
	s0 =	rddreg [dreg:$0x2]  }
0x151: {  	s0 =	sadd.s32 @!p0 $0x100000, s0  }
0x152: {  	[sflag:s0] =	ssyncadd.tile.s32 @!p0 $0x1;
	_ =	shalt  }
.Lfunc_end2:
_tile_overlayer_lowered:
.L_overlay_start_2:
0x153: {  	(tag) =	ssettag $0x2  }
0x154: {  	s0 =	rddreg [dreg:$0x0];
	s2 =	stileid.u32  }
0x155: {  	s1 =	rddreg [dreg:$0x1];
	p0 =	sne.s32 s2, $0x0  }
0x156: {  	s3 =	rddreg [dreg:$0x2];
	[bflag:$0x3] =	sbarrier.arrive $0xFFFF;
	s2 =	simm.s32 @!p0 $0x1C05  }
0x157: {  	[timem:s3], [sflag:s2] =	dma.local @!p0 [hbm:s0], s1  }
0x158: {  	s0 =	simm.s32 @!p0 $0x5  }
0x159: {  	_ =	swait.ge @!p0 [sflag:s0], s1  }
0x15a: {  	s1 =	ssub.s32 @!p0 $0x0, s1;
	[sflag:s0] =	ssyncset.done @!p0 $0x0  }
0x15b: {  	[sflag:s0] =	ssyncadd.s32 @!p0 s1  }
0x15c: {  	[bflag:$0x3] =	sbarrier.arrive $0xFFFF  }
0x15d: {  	_ =	shalt  }

</sc_bundles>
